<compile_context>
chip_gen: v7x
topology: tpu7x:2x2x1
jax: 0.10.2.dev20260603
libtpu: 0.0.44.dev20260713+nightly
codegen_flags: <defaults>
</compile_context>

<pallas_src>
import functools

import jax
import jax.numpy as jnp
from jax import lax
from jax.experimental import pallas as pl
from jax.experimental.pallas import tpu as pltpu
from jax.experimental.pallas import tpu_sc as plsc

NC, NS = 2, 16
NW = NC * NS
CH = 40
NB = 50
RB = 5
DW = 16


def _sc_aggregate(n_nodes, d_in, n_edges):
    et = n_edges // NW
    nch = et // CH
    nblk = nch // NB
    blk_e = NB * CH
    nrnd = NB // RB
    rows_per_tile = n_nodes // NS
    zrows = 25
    drows = 125
    assert et % CH == 0 and nch % NB == 0 and NB % RB == 0
    assert rows_per_tile % zrows == 0 and rows_per_tile % drows == 0

    mesh = plsc.VectorSubcoreMesh(
        core_axis_name="c", subcore_axis_name="s", num_cores=NC,
        num_subcores=NS)

    @functools.partial(
        pl.kernel,
        out_type=(jax.ShapeDtypeStruct((NC, n_nodes, d_in), jnp.float32),
                  jax.ShapeDtypeStruct((NC, n_nodes, DW), jnp.float32)),
        mesh=mesh,
        scratch_types=[
            pltpu.VMEM((blk_e,), jnp.int32),
            pltpu.VMEM((blk_e,), jnp.int32),
            [pltpu.VMEM((CH, d_in), jnp.float32) for _ in range(RB)],
            pltpu.VMEM((CH, DW), jnp.float32),
            pltpu.VMEM((zrows, d_in), jnp.float32),
            pltpu.VMEM((zrows, DW), jnp.float32),
            pltpu.VMEM_SHARED((n_nodes, d_in), jnp.float32),
            pltpu.VMEM_SHARED((n_nodes, DW), jnp.float32),
            [pltpu.SemaphoreType.DMA for _ in range(RB)],
            [pltpu.SemaphoreType.DMA for _ in range(RB)],
            pltpu.SemaphoreType.DMA,
            pltpu.SemaphoreType.DMA,
        ],
        compiler_params=pltpu.CompilerParams(use_tc_tiling_on_sc=False),
    )
    def agg_kernel(x_hbm, edge_hbm, out_hbm, deg_hbm,
                   sidx, didx, rows, ones, zbuf, zbufd, acc, deg,
                   gsem, ssem, dsem, hsem):
        c = lax.axis_index("c")
        s = lax.axis_index("s")
        wid = c * NS + s
        ebase = wid * et
        nbase = s * rows_per_tile

        def sid(j):
            return sidx.at[pl.ds(j * CH, CH)]

        def did(j):
            return didx.at[pl.ds(j * CH, CH)]

        @pl.loop(0, zrows)
        def _zero_rows(r):
            for j in range(d_in // 16):
                zbuf[r, pl.ds(j * 16, 16)] = jnp.zeros((16,), jnp.float32)
            zbufd[r, :] = jnp.zeros((16,), jnp.float32)

        @pl.loop(0, CH)
        def _one_rows(r):
            ones[r, :] = jnp.ones((16,), jnp.float32)

        @pl.loop(0, rows_per_tile // zrows)
        def _zero_acc(i):
            pltpu.async_copy(zbuf, acc.at[pl.ds(nbase + i * zrows, zrows)],
                             hsem)
            pltpu.async_copy(zbufd, deg.at[pl.ds(nbase + i * zrows, zrows)],
                             hsem)

        @pl.loop(0, rows_per_tile // zrows)
        def _zero_drain(i):
            pltpu.make_async_copy(zbuf, acc.at[pl.ds(nbase, zrows)],
                                  hsem).wait()
            pltpu.make_async_copy(zbufd, deg.at[pl.ds(nbase, zrows)],
                                  hsem).wait()

        plsc.subcore_barrier()

        @pl.loop(0, nblk)
        def _block(b):
            e0 = ebase + b * blk_e
            pltpu.async_copy(edge_hbm.at[0, pl.ds(e0, blk_e)], sidx, hsem)
            pltpu.async_copy(edge_hbm.at[1, pl.ds(e0, blk_e)], didx, hsem)
            pltpu.make_async_copy(edge_hbm.at[0, pl.ds(e0, blk_e)], sidx,
                                  hsem).wait()
            pltpu.make_async_copy(edge_hbm.at[1, pl.ds(e0, blk_e)], didx,
                                  hsem).wait()

            for k in range(RB - 1):
                pltpu.async_copy(x_hbm.at[sid(k)], rows[k], gsem[k])

            @pl.loop(0, nrnd)
            def _round(t):
                j0 = RB * t
                for k in range(RB):
                    j = j0 + k
                    pltpu.make_async_copy(x_hbm.at[sid(j)], rows[k],
                                          gsem[k]).wait()
                    pltpu.async_copy(rows[k], acc.at[did(j)], ssem[k],
                                     add=True)
                    pltpu.async_copy(ones, deg.at[did(j)], dsem, add=True)
                    kp = (k + RB - 1) % RB
                    if k == 0:
                        @pl.when(t > 0)
                        def _w():
                            pltpu.make_async_copy(rows[kp], acc.at[did(0)],
                                                  ssem[kp]).wait()
                    else:
                        pltpu.make_async_copy(rows[kp], acc.at[did(0)],
                                              ssem[kp]).wait()
                    pltpu.make_async_copy(ones, deg.at[did(0)], dsem).wait()
                    if k == 0:
                        pltpu.async_copy(x_hbm.at[sid(j + RB - 1)], rows[kp],
                                         gsem[kp])
                    else:
                        @pl.when(t < nrnd - 1)
                        def _g():
                            pltpu.async_copy(x_hbm.at[sid(j + RB - 1)],
                                             rows[kp], gsem[kp])

            pltpu.make_async_copy(rows[RB - 1], acc.at[did(0)],
                                  ssem[RB - 1]).wait()

        plsc.subcore_barrier()

        @pl.loop(0, rows_per_tile // drows)
        def _dump(i):
            r0 = nbase + i * drows
            pltpu.async_copy(acc.at[pl.ds(r0, drows)],
                             out_hbm.at[c, pl.ds(r0, drows)], hsem)

        pltpu.async_copy(deg.at[pl.ds(nbase, rows_per_tile)],
                         deg_hbm.at[c, pl.ds(nbase, rows_per_tile)], hsem)

        @pl.loop(0, rows_per_tile // drows)
        def _dump_drain(i):
            pltpu.make_async_copy(acc.at[pl.ds(nbase, drows)],
                                  out_hbm.at[c, pl.ds(nbase, drows)],
                                  hsem).wait()

        pltpu.make_async_copy(deg.at[pl.ds(nbase, rows_per_tile)],
                              deg_hbm.at[c, pl.ds(nbase, rows_per_tile)],
                              hsem).wait()

    return agg_kernel


def _tc_root(n_nodes, d_in, d_out, blk):
    grid = (n_nodes // blk,)

    def body(x_ref, wr_ref, b_ref, o_ref):
        o_ref[...] = jnp.dot(
            x_ref[...], wr_ref[...],
            preferred_element_type=jnp.float32) + b_ref[...]

    return pl.pallas_call(
        body,
        grid=grid,
        in_specs=[
            pl.BlockSpec((blk, d_in), lambda i: (i, 0)),
            pl.BlockSpec((d_in, d_out), lambda i: (0, 0)),
            pl.BlockSpec((1, d_out), lambda i: (0, 0)),
        ],
        out_specs=pl.BlockSpec((blk, d_out), lambda i: (i, 0)),
        out_shape=jax.ShapeDtypeStruct((n_nodes, d_out), jnp.float32),
    )


def _tc_combine(n_nodes, d_in, d_out, blk):
    grid = (n_nodes // blk,)

    def body(root_ref, pagg_ref, pdeg_ref, wn_ref, o_ref):
        ps = pagg_ref[0] + pagg_ref[1]
        deg = pdeg_ref[0, :, :1] + pdeg_ref[1, :, :1]
        agg = ps / jnp.maximum(deg, 1.0)
        o_ref[...] = root_ref[...] + jnp.dot(
            agg, wn_ref[...], preferred_element_type=jnp.float32)

    return pl.pallas_call(
        body,
        grid=grid,
        in_specs=[
            pl.BlockSpec((blk, d_out), lambda i: (i, 0)),
            pl.BlockSpec((NC, blk, d_in), lambda i: (0, i, 0)),
            pl.BlockSpec((NC, blk, DW), lambda i: (0, i, 0)),
            pl.BlockSpec((d_in, d_out), lambda i: (0, 0)),
        ],
        out_specs=pl.BlockSpec((blk, d_out), lambda i: (i, 0)),
        out_shape=jax.ShapeDtypeStruct((n_nodes, d_out), jnp.float32),
    )


def kernel(x, edge_index, W_root, W_neigh, b):
    n, d_in = x.shape
    e = edge_index.shape[1]
    d_out = W_root.shape[1]

    pagg, pdeg = _sc_aggregate(n, d_in, e)(x, edge_index)
    root = _tc_root(n, d_in, d_out, 2000)(x, W_root, b.reshape(1, d_out))
    return _tc_combine(n, d_in, d_out, 2000)(root, pagg, pdeg, W_neigh)

# --- scband reference (transcript-rebuilt; emitter-appended) ---
"""Pipeline reference for scband-py-glayer-36094905156135 (READ-ONLY COPY).

The authoritative reference and input builder live on the scoring server;
editing this copy changes nothing except your own understanding.
"""

import jax, jax.numpy as jnp
import numpy as np

N, E, D_IN, D_OUT = 10000, 320000, 128, 128

def setup_inputs(seed: int = 0) -> dict:
    key = jax.random.key(seed)
    k1, k2, k3, k4, k5 = jax.random.split(key, 5)
    x = jax.random.normal(k1, (N, D_IN), dtype=jnp.float32)
    edge_index = jax.random.randint(k2, (2, E), 0, N, dtype=jnp.int32)
    # SAGEConv parameters (glorot-ish init)
    scale = 1.0 / np.sqrt(D_IN)
    W_root = jax.random.normal(k3, (D_IN, D_OUT), dtype=jnp.float32) * scale
    W_neigh = jax.random.normal(k4, (D_IN, D_OUT), dtype=jnp.float32) * scale
    b = jnp.zeros((D_OUT,), dtype=jnp.float32)
    return {"x": x, "edge_index": edge_index, "W_root": W_root, "W_neigh": W_neigh, "b": b}

def reference(x, edge_index, W_root, W_neigh, b):
    # Faithful SAGEConv (mean aggregation), as wrapped by PyGLayer.forward
    # (the wrapper simply calls the layer once under no_grad).
    n_nodes = x.shape[0]
    src = edge_index[0]
    dst = edge_index[1]
    msgs = jnp.take(x, src, axis=0)                                  # gather (memory-bound)
    agg_sum = jax.ops.segment_sum(msgs, dst, num_segments=n_nodes)   # scatter-add
    deg = jax.ops.segment_sum(jnp.ones((edge_index.shape[1],), dtype=x.dtype), dst, num_segments=n_nodes)
    agg = agg_sum / jnp.clip(deg, 1.0)[:, None]                      # mean aggregation
    out = x @ W_root + agg @ W_neigh + b
    return out

if __name__ == "__main__":
    import jax
    _d = setup_inputs()
    print(jax.jit(kernel)(*tuple(_d.values())))

</pallas_src>

<mosaic_0001>
#map = affine_map<(d0, d1) -> (0, 0)>
#map1 = affine_map<(d0, d1) -> (0, 0, 0)>
module attributes {stable_mosaic.version = 14 : i64} {
  func.func @agg_kernel(%arg0: i32, %arg1: i32, %arg2: memref<10000x128xf32, #tpu.memory_space<hbm>>, %arg3: memref<2x320000xi32, #tpu.memory_space<hbm>>, %arg4: memref<2x10000x128xf32, #tpu.memory_space<hbm>>, %arg5: memref<2x10000x16xf32, #tpu.memory_space<hbm>>, %arg6: memref<2000xi32, #tpu.memory_space<vmem>>, %arg7: memref<2000xi32, #tpu.memory_space<vmem>>, %arg8: memref<40x128xf32, #tpu.memory_space<vmem>>, %arg9: memref<40x128xf32, #tpu.memory_space<vmem>>, %arg10: memref<40x128xf32, #tpu.memory_space<vmem>>, %arg11: memref<40x128xf32, #tpu.memory_space<vmem>>, %arg12: memref<40x128xf32, #tpu.memory_space<vmem>>, %arg13: memref<40x16xf32, #tpu.memory_space<vmem>>, %arg14: memref<25x128xf32, #tpu.memory_space<vmem>>, %arg15: memref<25x16xf32, #tpu.memory_space<vmem>>, %arg16: memref<10000x128xf32, #tpu.memory_space<vmem_shared>>, %arg17: memref<10000x16xf32, #tpu.memory_space<vmem_shared>>, %arg18: memref<!tpu.dma_semaphore, #tpu.memory_space<semaphore_mem>>, %arg19: memref<!tpu.dma_semaphore, #tpu.memory_space<semaphore_mem>>, %arg20: memref<!tpu.dma_semaphore, #tpu.memory_space<semaphore_mem>>, %arg21: memref<!tpu.dma_semaphore, #tpu.memory_space<semaphore_mem>>, %arg22: memref<!tpu.dma_semaphore, #tpu.memory_space<semaphore_mem>>, %arg23: memref<!tpu.dma_semaphore, #tpu.memory_space<semaphore_mem>>, %arg24: memref<!tpu.dma_semaphore, #tpu.memory_space<semaphore_mem>>, %arg25: memref<!tpu.dma_semaphore, #tpu.memory_space<semaphore_mem>>, %arg26: memref<!tpu.dma_semaphore, #tpu.memory_space<semaphore_mem>>, %arg27: memref<!tpu.dma_semaphore, #tpu.memory_space<semaphore_mem>>, %arg28: memref<!tpu.dma_semaphore, #tpu.memory_space<semaphore_mem>>, %arg29: memref<!tpu.dma_semaphore, #tpu.memory_space<semaphore_mem>>) attributes {dimension_semantics = [#tpu.dimension_semantics<core_parallel>, #tpu.dimension_semantics<subcore_parallel>], iteration_bounds = array<i64: 2, 16>, scalar_prefetch = 0 : i64, scratch_operands = 24 : i64, tpu.core_type = #tpu.core_type<sc_vector_subcore>, window_params = [{transform_indices = #map}, {transform_indices = #map}, {transform_indices = #map1}, {transform_indices = #map1}]} {
    %mul3A = arith.constant 16 : i32
    %mul3A_0 = arith.muli %arg0, %mul3A : i32
    %add3A = arith.addi %mul3A_0, %arg1 : i32
    %mul3A_1 = arith.constant 10000 : i32
    %mul3A_2 = arith.muli %add3A, %mul3A_1 : i32
    %mul3A_3 = arith.constant 625 : i32
    %mul3A_4 = arith.muli %arg1, %mul3A_3 : i32
    %scan3A = arith.constant 0 : i32
    %scan3A_5 = arith.constant 25 : i32
    %scan3A_6 = arith.addi %scan3A, %scan3A_5 : i32
    %scan3A_7 = arith.constant 1 : i32
    scf.for %scan3A_48 = %scan3A to %scan3A_6 step %scan3A_7  : i32 {
      %mul3A_49 = arith.constant 1 : i32
      %mul3A_50 = arith.muli %scan3A_48, %mul3A_49 : i32
      %add3A_51 = arith.constant 0 : i32
      %add3A_52 = arith.addi %add3A_51, %mul3A_50 : i32
      %broadcast_in_dim3A = arith.constant 0.000000e+00 : f32
      %broadcast_in_dim3A_53 = vector.broadcast %broadcast_in_dim3A : f32 to vector<16xf32>
      %swap3A = arith.index_cast %add3A_52 : i32 to index
      %swap3A_54 = arith.constant 0 : index
      %swap3A_55 = tpu.vector_load %arg14[%swap3A, %swap3A_54] {strides = array<i32>} : memref<25x128xf32, #tpu.memory_space<vmem>>, vector<1x16xf32>,
      %swap3A_56 = vector.shape_cast %swap3A_55 : vector<1x16xf32> to vector<16xf32>
      %swap3A_57 = vector.shape_cast %broadcast_in_dim3A_53 : vector<16xf32> to vector<1x16xf32>
      tpu.vector_store %arg14[%swap3A, %swap3A_54], %swap3A_57 {strides = array<i32>} : memref<25x128xf32, #tpu.memory_space<vmem>>, vector<1x16xf32>,
      %broadcast_in_dim3A_58 = arith.constant 0.000000e+00 : f32
      %broadcast_in_dim3A_59 = vector.broadcast %broadcast_in_dim3A_58 : f32 to vector<16xf32>
      %swap3A_60 = arith.index_cast %add3A_52 : i32 to index
      %swap3A_61 = arith.constant 16 : index
      %swap3A_62 = tpu.vector_load %arg14[%swap3A_60, %swap3A_61] {strides = array<i32>} : memref<25x128xf32, #tpu.memory_space<vmem>>, vector<1x16xf32>,
      %swap3A_63 = vector.shape_cast %swap3A_62 : vector<1x16xf32> to vector<16xf32>
      %swap3A_64 = vector.shape_cast %broadcast_in_dim3A_59 : vector<16xf32> to vector<1x16xf32>
      tpu.vector_store %arg14[%swap3A_60, %swap3A_61], %swap3A_64 {strides = array<i32>} : memref<25x128xf32, #tpu.memory_space<vmem>>, vector<1x16xf32>,
      %broadcast_in_dim3A_65 = arith.constant 0.000000e+00 : f32
      %broadcast_in_dim3A_66 = vector.broadcast %broadcast_in_dim3A_65 : f32 to vector<16xf32>
      %swap3A_67 = arith.index_cast %add3A_52 : i32 to index
      %swap3A_68 = arith.constant 32 : index
      %swap3A_69 = tpu.vector_load %arg14[%swap3A_67, %swap3A_68] {strides = array<i32>} : memref<25x128xf32, #tpu.memory_space<vmem>>, vector<1x16xf32>,
      %swap3A_70 = vector.shape_cast %swap3A_69 : vector<1x16xf32> to vector<16xf32>
      %swap3A_71 = vector.shape_cast %broadcast_in_dim3A_66 : vector<16xf32> to vector<1x16xf32>
      tpu.vector_store %arg14[%swap3A_67, %swap3A_68], %swap3A_71 {strides = array<i32>} : memref<25x128xf32, #tpu.memory_space<vmem>>, vector<1x16xf32>,
      %broadcast_in_dim3A_72 = arith.constant 0.000000e+00 : f32
      %broadcast_in_dim3A_73 = vector.broadcast %broadcast_in_dim3A_72 : f32 to vector<16xf32>
      %swap3A_74 = arith.index_cast %add3A_52 : i32 to index
      %swap3A_75 = arith.constant 48 : index
      %swap3A_76 = tpu.vector_load %arg14[%swap3A_74, %swap3A_75] {strides = array<i32>} : memref<25x128xf32, #tpu.memory_space<vmem>>, vector<1x16xf32>,
      %swap3A_77 = vector.shape_cast %swap3A_76 : vector<1x16xf32> to vector<16xf32>
      %swap3A_78 = vector.shape_cast %broadcast_in_dim3A_73 : vector<16xf32> to vector<1x16xf32>
      tpu.vector_store %arg14[%swap3A_74, %swap3A_75], %swap3A_78 {strides = array<i32>} : memref<25x128xf32, #tpu.memory_space<vmem>>, vector<1x16xf32>,
      %broadcast_in_dim3A_79 = arith.constant 0.000000e+00 : f32
      %broadcast_in_dim3A_80 = vector.broadcast %broadcast_in_dim3A_79 : f32 to vector<16xf32>
      %swap3A_81 = arith.index_cast %add3A_52 : i32 to index
      %swap3A_82 = arith.constant 64 : index
      %swap3A_83 = tpu.vector_load %arg14[%swap3A_81, %swap3A_82] {strides = array<i32>} : memref<25x128xf32, #tpu.memory_space<vmem>>, vector<1x16xf32>,
      %swap3A_84 = vector.shape_cast %swap3A_83 : vector<1x16xf32> to vector<16xf32>
      %swap3A_85 = vector.shape_cast %broadcast_in_dim3A_80 : vector<16xf32> to vector<1x16xf32>
      tpu.vector_store %arg14[%swap3A_81, %swap3A_82], %swap3A_85 {strides = array<i32>} : memref<25x128xf32, #tpu.memory_space<vmem>>, vector<1x16xf32>,
      %broadcast_in_dim3A_86 = arith.constant 0.000000e+00 : f32
      %broadcast_in_dim3A_87 = vector.broadcast %broadcast_in_dim3A_86 : f32 to vector<16xf32>
      %swap3A_88 = arith.index_cast %add3A_52 : i32 to index
      %swap3A_89 = arith.constant 80 : index
      %swap3A_90 = tpu.vector_load %arg14[%swap3A_88, %swap3A_89] {strides = array<i32>} : memref<25x128xf32, #tpu.memory_space<vmem>>, vector<1x16xf32>,
      %swap3A_91 = vector.shape_cast %swap3A_90 : vector<1x16xf32> to vector<16xf32>
      %swap3A_92 = vector.shape_cast %broadcast_in_dim3A_87 : vector<16xf32> to vector<1x16xf32>
      tpu.vector_store %arg14[%swap3A_88, %swap3A_89], %swap3A_92 {strides = array<i32>} : memref<25x128xf32, #tpu.memory_space<vmem>>, vector<1x16xf32>,
      %broadcast_in_dim3A_93 = arith.constant 0.000000e+00 : f32
      %broadcast_in_dim3A_94 = vector.broadcast %broadcast_in_dim3A_93 : f32 to vector<16xf32>
      %swap3A_95 = arith.index_cast %add3A_52 : i32 to index
      %swap3A_96 = arith.constant 96 : index
      %swap3A_97 = tpu.vector_load %arg14[%swap3A_95, %swap3A_96] {strides = array<i32>} : memref<25x128xf32, #tpu.memory_space<vmem>>, vector<1x16xf32>,
      %swap3A_98 = vector.shape_cast %swap3A_97 : vector<1x16xf32> to vector<16xf32>
      %swap3A_99 = vector.shape_cast %broadcast_in_dim3A_94 : vector<16xf32> to vector<1x16xf32>
      tpu.vector_store %arg14[%swap3A_95, %swap3A_96], %swap3A_99 {strides = array<i32>} : memref<25x128xf32, #tpu.memory_space<vmem>>, vector<1x16xf32>,
      %broadcast_in_dim3A_100 = arith.constant 0.000000e+00 : f32
      %broadcast_in_dim3A_101 = vector.broadcast %broadcast_in_dim3A_100 : f32 to vector<16xf32>
      %swap3A_102 = arith.index_cast %add3A_52 : i32 to index
      %swap3A_103 = arith.constant 112 : index
      %swap3A_104 = tpu.vector_load %arg14[%swap3A_102, %swap3A_103] {strides = array<i32>} : memref<25x128xf32, #tpu.memory_space<vmem>>, vector<1x16xf32>,
      %swap3A_105 = vector.shape_cast %swap3A_104 : vector<1x16xf32> to vector<16xf32>
      %swap3A_106 = vector.shape_cast %broadcast_in_dim3A_101 : vector<16xf32> to vector<1x16xf32>
      tpu.vector_store %arg14[%swap3A_102, %swap3A_103], %swap3A_106 {strides = array<i32>} : memref<25x128xf32, #tpu.memory_space<vmem>>, vector<1x16xf32>,
      %broadcast_in_dim3A_107 = arith.constant 0.000000e+00 : f32
      %broadcast_in_dim3A_108 = vector.broadcast %broadcast_in_dim3A_107 : f32 to vector<16xf32>
      %swap3A_109 = arith.index_cast %add3A_52 : i32 to index
      %swap3A_110 = arith.constant 0 : index
      %swap3A_111 = tpu.vector_load %arg15[%swap3A_109, %swap3A_110] {strides = array<i32>} : memref<25x16xf32, #tpu.memory_space<vmem>>, vector<1x16xf32>,
      %swap3A_112 = vector.shape_cast %swap3A_111 : vector<1x16xf32> to vector<16xf32>
      %swap3A_113 = vector.shape_cast %broadcast_in_dim3A_108 : vector<16xf32> to vector<1x16xf32>
      tpu.vector_store %arg15[%swap3A_109, %swap3A_110], %swap3A_113 {strides = array<i32>} : memref<25x16xf32, #tpu.memory_space<vmem>>, vector<1x16xf32>,
    }
    %scan3A_8 = arith.constant 25 : i32
    %scan3A_9 = arith.constant 0 : i32
    %scan3A_10 = arith.constant 40 : i32
    %scan3A_11 = arith.addi %scan3A_9, %scan3A_10 : i32
    %scan3A_12 = arith.constant 1 : i32
    scf.for %scan3A_48 = %scan3A_9 to %scan3A_11 step %scan3A_12  : i32 {
      %mul3A_49 = arith.constant 1 : i32
      %mul3A_50 = arith.muli %scan3A_48, %mul3A_49 : i32
      %add3A_51 = arith.constant 0 : i32
      %add3A_52 = arith.addi %add3A_51, %mul3A_50 : i32
      %broadcast_in_dim3A = arith.constant 1.000000e+00 : f32
      %broadcast_in_dim3A_53 = vector.broadcast %broadcast_in_dim3A : f32 to vector<16xf32>
      %swap3A = arith.index_cast %add3A_52 : i32 to index
      %swap3A_54 = arith.constant 0 : index
      %swap3A_55 = tpu.vector_load %arg13[%swap3A, %swap3A_54] {strides = array<i32>} : memref<40x16xf32, #tpu.memory_space<vmem>>, vector<1x16xf32>,
      %swap3A_56 = vector.shape_cast %swap3A_55 : vector<1x16xf32> to vector<16xf32>
      %swap3A_57 = vector.shape_cast %broadcast_in_dim3A_53 : vector<16xf32> to vector<1x16xf32>
      tpu.vector_store %arg13[%swap3A, %swap3A_54], %swap3A_57 {strides = array<i32>} : memref<40x16xf32, #tpu.memory_space<vmem>>, vector<1x16xf32>,
    }
    %scan3A_13 = arith.constant 40 : i32
    %scan3A_14 = arith.constant 0 : i32
    %scan3A_15 = arith.constant 25 : i32
    %scan3A_16 = arith.addi %scan3A_14, %scan3A_15 : i32
    %scan3A_17 = arith.constant 1 : i32
    scf.for %scan3A_48 = %scan3A_14 to %scan3A_16 step %scan3A_17  : i32 {
      %mul3A_49 = arith.constant 1 : i32
      %mul3A_50 = arith.muli %scan3A_48, %mul3A_49 : i32
      %add3A_51 = arith.constant 0 : i32
      %add3A_52 = arith.addi %add3A_51, %mul3A_50 : i32
      %mul3A_53 = arith.constant 25 : i32
      %mul3A_54 = arith.muli %add3A_52, %mul3A_53 : i32
      %add3A_55 = arith.addi %mul3A_4, %mul3A_54 : i32
      %dma_start3A_56 = arith.constant 0 : i32
      %dma_start3A_57 = tpu.memref_slice %arg16[%add3A_55, %dma_start3A_56] : memref<10000x128xf32, #tpu.memory_space<vmem_shared>> -> memref<25x128xf32, #tpu.memory_space<vmem_shared>>
      %dma_start3A_58 = arith.constant 0 : i32
      %dma_start3A_59 = tpu.memref_slice %arg16[%add3A_55, %dma_start3A_58] : memref<10000x128xf32, #tpu.memory_space<vmem_shared>> -> memref<25x128xf32, #tpu.memory_space<vmem_shared>>
      tpu.enqueue_dma source(%arg14 : memref<25x128xf32, #tpu.memory_space<vmem>>) target(%dma_start3A_59 : memref<25x128xf32, #tpu.memory_space<vmem_shared>>) target_semaphore(%arg29 : memref<!tpu.dma_semaphore, #tpu.memory_space<semaphore_mem>>)
      %mul3A_60 = arith.constant 25 : i32
      %mul3A_61 = arith.muli %add3A_52, %mul3A_60 : i32
      %add3A_62 = arith.addi %mul3A_4, %mul3A_61 : i32
      %dma_start3A_63 = arith.constant 0 : i32
      %dma_start3A_64 = tpu.memref_slice %arg17[%add3A_62, %dma_start3A_63] : memref<10000x16xf32, #tpu.memory_space<vmem_shared>> -> memref<25x16xf32, #tpu.memory_space<vmem_shared>>
      %dma_start3A_65 = arith.constant 0 : i32
      %dma_start3A_66 = tpu.memref_slice %arg17[%add3A_62, %dma_start3A_65] : memref<10000x16xf32, #tpu.memory_space<vmem_shared>> -> memref<25x16xf32, #tpu.memory_space<vmem_shared>>
      tpu.enqueue_dma source(%arg15 : memref<25x16xf32, #tpu.memory_space<vmem>>) target(%dma_start3A_66 : memref<25x16xf32, #tpu.memory_space<vmem_shared>>) target_semaphore(%arg29 : memref<!tpu.dma_semaphore, #tpu.memory_space<semaphore_mem>>)
    }
    %scan3A_18 = arith.constant 25 : i32
    %scan3A_19 = arith.constant 0 : i32
    %scan3A_20 = arith.constant 25 : i32
    %scan3A_21 = arith.addi %scan3A_19, %scan3A_20 : i32
    %scan3A_22 = arith.constant 1 : i32
    scf.for %scan3A_48 = %scan3A_19 to %scan3A_21 step %scan3A_22  : i32 {
      %mul3A_49 = arith.constant 1 : i32
      %mul3A_50 = arith.muli %scan3A_48, %mul3A_49 : i32
      %add3A_51 = arith.constant 0 : i32
      %add3A_52 = arith.addi %add3A_51, %mul3A_50 : i32
      %dma_wait3A_53 = arith.constant 0 : i32
      %dma_wait3A_54 = tpu.memref_slice %arg16[%mul3A_4, %dma_wait3A_53] : memref<10000x128xf32, #tpu.memory_space<vmem_shared>> -> memref<25x128xf32, #tpu.memory_space<vmem_shared>>
      %dma_wait3A_55 = arith.constant 0 : i32
      %dma_wait3A_56 = tpu.memref_slice %arg16[%mul3A_4, %dma_wait3A_55] : memref<10000x128xf32, #tpu.memory_space<vmem_shared>> -> memref<25x128xf32, #tpu.memory_space<vmem_shared>>
      tpu.wait_dma2 semaphore(%arg29 : memref<!tpu.dma_semaphore, #tpu.memory_space<semaphore_mem>>) src(%arg14 : memref<25x128xf32, #tpu.memory_space<vmem>>) dst(%dma_wait3A_56 : memref<25x128xf32, #tpu.memory_space<vmem_shared>>)
      %dma_wait3A_57 = arith.constant 0 : i32
      %dma_wait3A_58 = tpu.memref_slice %arg17[%mul3A_4, %dma_wait3A_57] : memref<10000x16xf32, #tpu.memory_space<vmem_shared>> -> memref<25x16xf32, #tpu.memory_space<vmem_shared>>
      %dma_wait3A_59 = arith.constant 0 : i32
      %dma_wait3A_60 = tpu.memref_slice %arg17[%mul3A_4, %dma_wait3A_59] : memref<10000x16xf32, #tpu.memory_space<vmem_shared>> -> memref<25x16xf32, #tpu.memory_space<vmem_shared>>
      tpu.wait_dma2 semaphore(%arg29 : memref<!tpu.dma_semaphore, #tpu.memory_space<semaphore_mem>>) src(%arg15 : memref<25x16xf32, #tpu.memory_space<vmem>>) dst(%dma_wait3A_60 : memref<25x16xf32, #tpu.memory_space<vmem_shared>>)
    }
    %scan3A_23 = arith.constant 25 : i32
    %barrier3A = arith.constant 0 : index
    tpu.barrier barrier_id(%barrier3A)
    %scan3A_24 = arith.constant 0 : i32
    %scan3A_25 = arith.constant 5 : i32
    %scan3A_26 = arith.addi %scan3A_24, %scan3A_25 : i32
    %scan3A_27 = arith.constant 1 : i32
    scf.for %scan3A_48 = %scan3A_24 to %scan3A_26 step %scan3A_27  : i32 {
      %mul3A_49 = arith.constant 1 : i32
      %mul3A_50 = arith.muli %scan3A_48, %mul3A_49 : i32
      %add3A_51 = arith.constant 0 : i32
      %add3A_52 = arith.addi %add3A_51, %mul3A_50 : i32
      %mul3A_53 = arith.constant 2000 : i32
      %mul3A_54 = arith.muli %add3A_52, %mul3A_53 : i32
      %add3A_55 = arith.addi %mul3A_2, %mul3A_54 : i32
      %dma_start3A_56 = arith.constant 0 : i32
      %dma_start3A_57 = tpu.memref_slice %arg3[%dma_start3A_56, %add3A_55] : memref<2x320000xi32, #tpu.memory_space<hbm>> -> memref<1x2000xi32, #tpu.memory_space<hbm>>
      %dma_start3A_58 = tpu.memref_squeeze %dma_start3A_57 : memref<1x2000xi32, #tpu.memory_space<hbm>> -> memref<2000xi32, #tpu.memory_space<hbm>>
      %dma_start3A_59 = tpu.memref_slice %arg3[%dma_start3A_56, %add3A_55] : memref<2x320000xi32, #tpu.memory_space<hbm>> -> memref<1x2000xi32, #tpu.memory_space<hbm>>
      %dma_start3A_60 = tpu.memref_squeeze %dma_start3A_59 : memref<1x2000xi32, #tpu.memory_space<hbm>> -> memref<2000xi32, #tpu.memory_space<hbm>>
      tpu.enqueue_dma source(%dma_start3A_60 : memref<2000xi32, #tpu.memory_space<hbm>>) target(%arg6 : memref<2000xi32, #tpu.memory_space<vmem>>) target_semaphore(%arg29 : memref<!tpu.dma_semaphore, #tpu.memory_space<semaphore_mem>>)
      %dma_start3A_61 = arith.constant 1 : i32
      %dma_start3A_62 = tpu.memref_slice %arg3[%dma_start3A_61, %add3A_55] : memref<2x320000xi32, #tpu.memory_space<hbm>> -> memref<1x2000xi32, #tpu.memory_space<hbm>>
      %dma_start3A_63 = tpu.memref_squeeze %dma_start3A_62 : memref<1x2000xi32, #tpu.memory_space<hbm>> -> memref<2000xi32, #tpu.memory_space<hbm>>
      %dma_start3A_64 = tpu.memref_slice %arg3[%dma_start3A_61, %add3A_55] : memref<2x320000xi32, #tpu.memory_space<hbm>> -> memref<1x2000xi32, #tpu.memory_space<hbm>>
      %dma_start3A_65 = tpu.memref_squeeze %dma_start3A_64 : memref<1x2000xi32, #tpu.memory_space<hbm>> -> memref<2000xi32, #tpu.memory_space<hbm>>
      tpu.enqueue_dma source(%dma_start3A_65 : memref<2000xi32, #tpu.memory_space<hbm>>) target(%arg7 : memref<2000xi32, #tpu.memory_space<vmem>>) target_semaphore(%arg29 : memref<!tpu.dma_semaphore, #tpu.memory_space<semaphore_mem>>)
      %dma_wait3A_66 = arith.constant 0 : i32
      %dma_wait3A_67 = tpu.memref_slice %arg3[%dma_wait3A_66, %add3A_55] : memref<2x320000xi32, #tpu.memory_space<hbm>> -> memref<1x2000xi32, #tpu.memory_space<hbm>>
      %dma_wait3A_68 = tpu.memref_squeeze %dma_wait3A_67 : memref<1x2000xi32, #tpu.memory_space<hbm>> -> memref<2000xi32, #tpu.memory_space<hbm>>
      %dma_wait3A_69 = tpu.memref_slice %arg3[%dma_wait3A_66, %add3A_55] : memref<2x320000xi32, #tpu.memory_space<hbm>> -> memref<1x2000xi32, #tpu.memory_space<hbm>>
      %dma_wait3A_70 = tpu.memref_squeeze %dma_wait3A_69 : memref<1x2000xi32, #tpu.memory_space<hbm>> -> memref<2000xi32, #tpu.memory_space<hbm>>
      tpu.wait_dma2 semaphore(%arg29 : memref<!tpu.dma_semaphore, #tpu.memory_space<semaphore_mem>>) src(%dma_wait3A_70 : memref<2000xi32, #tpu.memory_space<hbm>>) dst(%arg6 : memref<2000xi32, #tpu.memory_space<vmem>>)
      %dma_wait3A_71 = arith.constant 1 : i32
      %dma_wait3A_72 = tpu.memref_slice %arg3[%dma_wait3A_71, %add3A_55] : memref<2x320000xi32, #tpu.memory_space<hbm>> -> memref<1x2000xi32, #tpu.memory_space<hbm>>
      %dma_wait3A_73 = tpu.memref_squeeze %dma_wait3A_72 : memref<1x2000xi32, #tpu.memory_space<hbm>> -> memref<2000xi32, #tpu.memory_space<hbm>>
      %dma_wait3A_74 = tpu.memref_slice %arg3[%dma_wait3A_71, %add3A_55] : memref<2x320000xi32, #tpu.memory_space<hbm>> -> memref<1x2000xi32, #tpu.memory_space<hbm>>
      %dma_wait3A_75 = tpu.memref_squeeze %dma_wait3A_74 : memref<1x2000xi32, #tpu.memory_space<hbm>> -> memref<2000xi32, #tpu.memory_space<hbm>>
      tpu.wait_dma2 semaphore(%arg29 : memref<!tpu.dma_semaphore, #tpu.memory_space<semaphore_mem>>) src(%dma_wait3A_75 : memref<2000xi32, #tpu.memory_space<hbm>>) dst(%arg7 : memref<2000xi32, #tpu.memory_space<vmem>>)
      %dma_start3A_76 = arith.constant 0 : i32
      %dma_start3A_77 = tpu.memref_slice %arg6[%dma_start3A_76] : memref<2000xi32, #tpu.memory_space<vmem>> -> memref<40xi32, #tpu.memory_space<vmem>>
      %dma_start3A_78 = arith.constant 0 : i32
      %dma_start3A_79 = arith.constant 0 : i32
      %dma_start3A_80 = tpu.memref_slice %arg2[%dma_start3A_78, %dma_start3A_79] : memref<10000x128xf32, #tpu.memory_space<hbm>> -> memref<10000x128xf32, #tpu.memory_space<hbm>>
      tpu.enqueue_indirect_dma source(%dma_start3A_80 : memref<10000x128xf32, #tpu.memory_space<hbm>>) target(%arg8 : memref<40x128xf32, #tpu.memory_space<vmem>>) offsets(%dma_start3A_77 : memref<40xi32, #tpu.memory_space<vmem>>) semaphore(%arg18 : memref<!tpu.dma_semaphore, #tpu.memory_space<semaphore_mem>>)
      %dma_start3A_81 = arith.constant 40 : i32
      %dma_start3A_82 = tpu.memref_slice %arg6[%dma_start3A_81] : memref<2000xi32, #tpu.memory_space<vmem>> -> memref<40xi32, #tpu.memory_space<vmem>>
      %dma_start3A_83 = arith.constant 0 : i32
      %dma_start3A_84 = arith.constant 0 : i32
      %dma_start3A_85 = tpu.memref_slice %arg2[%dma_start3A_83, %dma_start3A_84] : memref<10000x128xf32, #tpu.memory_space<hbm>> -> memref<10000x128xf32, #tpu.memory_space<hbm>>
      tpu.enqueue_indirect_dma source(%dma_start3A_85 : memref<10000x128xf32, #tpu.memory_space<hbm>>) target(%arg9 : memref<40x128xf32, #tpu.memory_space<vmem>>) offsets(%dma_start3A_82 : memref<40xi32, #tpu.memory_space<vmem>>) semaphore(%arg19 : memref<!tpu.dma_semaphore, #tpu.memory_space<semaphore_mem>>)
      %dma_start3A_86 = arith.constant 80 : i32
      %dma_start3A_87 = tpu.memref_slice %arg6[%dma_start3A_86] : memref<2000xi32, #tpu.memory_space<vmem>> -> memref<40xi32, #tpu.memory_space<vmem>>
      %dma_start3A_88 = arith.constant 0 : i32
      %dma_start3A_89 = arith.constant 0 : i32
      %dma_start3A_90 = tpu.memref_slice %arg2[%dma_start3A_88, %dma_start3A_89] : memref<10000x128xf32, #tpu.memory_space<hbm>> -> memref<10000x128xf32, #tpu.memory_space<hbm>>
      tpu.enqueue_indirect_dma source(%dma_start3A_90 : memref<10000x128xf32, #tpu.memory_space<hbm>>) target(%arg10 : memref<40x128xf32, #tpu.memory_space<vmem>>) offsets(%dma_start3A_87 : memref<40xi32, #tpu.memory_space<vmem>>) semaphore(%arg20 : memref<!tpu.dma_semaphore, #tpu.memory_space<semaphore_mem>>)
      %dma_start3A_91 = arith.constant 120 : i32
      %dma_start3A_92 = tpu.memref_slice %arg6[%dma_start3A_91] : memref<2000xi32, #tpu.memory_space<vmem>> -> memref<40xi32, #tpu.memory_space<vmem>>
      %dma_start3A_93 = arith.constant 0 : i32
      %dma_start3A_94 = arith.constant 0 : i32
      %dma_start3A_95 = tpu.memref_slice %arg2[%dma_start3A_93, %dma_start3A_94] : memref<10000x128xf32, #tpu.memory_space<hbm>> -> memref<10000x128xf32, #tpu.memory_space<hbm>>
      tpu.enqueue_indirect_dma source(%dma_start3A_95 : memref<10000x128xf32, #tpu.memory_space<hbm>>) target(%arg11 : memref<40x128xf32, #tpu.memory_space<vmem>>) offsets(%dma_start3A_92 : memref<40xi32, #tpu.memory_space<vmem>>) semaphore(%arg21 : memref<!tpu.dma_semaphore, #tpu.memory_space<semaphore_mem>>)
      %scan3A_96 = arith.constant 0 : i32
      %scan3A_97 = arith.constant 10 : i32
      %scan3A_98 = arith.addi %scan3A_96, %scan3A_97 : i32
      %scan3A_99 = arith.constant 1 : i32
      scf.for %scan3A_106 = %scan3A_96 to %scan3A_98 step %scan3A_99  : i32 {
        %mul3A_107 = arith.constant 1 : i32
        %mul3A_108 = arith.muli %scan3A_106, %mul3A_107 : i32
        %add3A_109 = arith.constant 0 : i32
        %add3A_110 = arith.addi %add3A_109, %mul3A_108 : i32
        %mul3A_111 = arith.constant 5 : i32
        %mul3A_112 = arith.muli %mul3A_111, %add3A_110 : i32
        %add3A_113 = arith.constant 0 : i32
        %add3A_114 = arith.addi %mul3A_112, %add3A_113 : i32
        %mul3A_115 = arith.constant 40 : i32
        %mul3A_116 = arith.muli %add3A_114, %mul3A_115 : i32
        %dma_wait3A_117 = tpu.memref_slice %arg6[%mul3A_116] : memref<2000xi32, #tpu.memory_space<vmem>> -> memref<40xi32, #tpu.memory_space<vmem>>
        %dma_wait3A_118 = arith.constant 0 : i32
        %dma_wait3A_119 = arith.constant 0 : i32
        %dma_wait3A_120 = tpu.memref_slice %arg2[%dma_wait3A_118, %dma_wait3A_119] : memref<10000x128xf32, #tpu.memory_space<hbm>> -> memref<10000x128xf32, #tpu.memory_space<hbm>>
        tpu.wait_indirect_dma semaphore(%arg18 : memref<!tpu.dma_semaphore, #tpu.memory_space<semaphore_mem>>) src(%dma_wait3A_120 : memref<10000x128xf32, #tpu.memory_space<hbm>>) dst(%arg8 : memref<40x128xf32, #tpu.memory_space<vmem>>)
        %mul3A_121 = arith.constant 40 : i32
        %mul3A_122 = arith.muli %add3A_114, %mul3A_121 : i32
        %dma_start3A_123 = tpu.memref_slice %arg7[%mul3A_122] : memref<2000xi32, #tpu.memory_space<vmem>> -> memref<40xi32, #tpu.memory_space<vmem>>
        %dma_start3A_124 = arith.constant 0 : i32
        %dma_start3A_125 = arith.constant 0 : i32
        %dma_start3A_126 = tpu.memref_slice %arg16[%dma_start3A_124, %dma_start3A_125] : memref<10000x128xf32, #tpu.memory_space<vmem_shared>> -> memref<10000x128xf32, #tpu.memory_space<vmem_shared>>
        tpu.enqueue_indirect_dma source(%arg8 : memref<40x128xf32, #tpu.memory_space<vmem>>) target(%dma_start3A_126 : memref<10000x128xf32, #tpu.memory_space<vmem_shared>>) offsets(%dma_start3A_123 : memref<40xi32, #tpu.memory_space<vmem>>) semaphore(%arg23 : memref<!tpu.dma_semaphore, #tpu.memory_space<semaphore_mem>>) {add = true}
        %mul3A_127 = arith.constant 40 : i32
        %mul3A_128 = arith.muli %add3A_114, %mul3A_127 : i32
        %dma_start3A_129 = tpu.memref_slice %arg7[%mul3A_128] : memref<2000xi32, #tpu.memory_space<vmem>> -> memref<40xi32, #tpu.memory_space<vmem>>
        %dma_start3A_130 = arith.constant 0 : i32
        %dma_start3A_131 = arith.constant 0 : i32
        %dma_start3A_132 = tpu.memref_slice %arg17[%dma_start3A_130, %dma_start3A_131] : memref<10000x16xf32, #tpu.memory_space<vmem_shared>> -> memref<10000x16xf32, #tpu.memory_space<vmem_shared>>
        tpu.enqueue_indirect_dma source(%arg13 : memref<40x16xf32, #tpu.memory_space<vmem>>) target(%dma_start3A_132 : memref<10000x16xf32, #tpu.memory_space<vmem_shared>>) offsets(%dma_start3A_129 : memref<40xi32, #tpu.memory_space<vmem>>) semaphore(%arg28 : memref<!tpu.dma_semaphore, #tpu.memory_space<semaphore_mem>>) {add = true}
        %gt3A = arith.constant 0 : i32
        %gt3A_133 = arith.cmpi sgt, %add3A_110, %gt3A : i32
        %convert_element_type3A = arith.extui %gt3A_133 : i1 to i32
        %cond3A = arith.constant 0 : i32
        %cond3A_134 = arith.cmpi ne, %convert_element_type3A, %cond3A : i32
        scf.if %cond3A_134 {
          %dma_wait3A_288 = arith.constant 0 : i32
          %dma_wait3A_289 = tpu.memref_slice %arg7[%dma_wait3A_288] : memref<2000xi32, #tpu.memory_space<vmem>> -> memref<40xi32, #tpu.memory_space<vmem>>
          %dma_wait3A_290 = arith.constant 0 : i32
          %dma_wait3A_291 = arith.constant 0 : i32
          %dma_wait3A_292 = tpu.memref_slice %arg16[%dma_wait3A_290, %dma_wait3A_291] : memref<10000x128xf32, #tpu.memory_space<vmem_shared>> -> memref<10000x128xf32, #tpu.memory_space<vmem_shared>>
          tpu.wait_indirect_dma semaphore(%arg27 : memref<!tpu.dma_semaphore, #tpu.memory_space<semaphore_mem>>) src(%arg12 : memref<40x128xf32, #tpu.memory_space<vmem>>) dst(%dma_wait3A_292 : memref<10000x128xf32, #tpu.memory_space<vmem_shared>>)
        } else {
        }
        %dma_wait3A_135 = arith.constant 0 : i32
        %dma_wait3A_136 = tpu.memref_slice %arg7[%dma_wait3A_135] : memref<2000xi32, #tpu.memory_space<vmem>> -> memref<40xi32, #tpu.memory_space<vmem>>
        %dma_wait3A_137 = arith.constant 0 : i32
        %dma_wait3A_138 = arith.constant 0 : i32
        %dma_wait3A_139 = tpu.memref_slice %arg17[%dma_wait3A_137, %dma_wait3A_138] : memref<10000x16xf32, #tpu.memory_space<vmem_shared>> -> memref<10000x16xf32, #tpu.memory_space<vmem_shared>>
        tpu.wait_indirect_dma semaphore(%arg28 : memref<!tpu.dma_semaphore, #tpu.memory_space<semaphore_mem>>) src(%arg13 : memref<40x16xf32, #tpu.memory_space<vmem>>) dst(%dma_wait3A_139 : memref<10000x16xf32, #tpu.memory_space<vmem_shared>>)
        %add3A_140 = arith.constant 5 : i32
        %add3A_141 = arith.addi %add3A_114, %add3A_140 : i32
        %sub3A = arith.constant 1 : i32
        %sub3A_142 = arith.subi %add3A_141, %sub3A : i32
        %mul3A_143 = arith.constant 40 : i32
        %mul3A_144 = arith.muli %sub3A_142, %mul3A_143 : i32
        %dma_start3A_145 = tpu.memref_slice %arg6[%mul3A_144] : memref<2000xi32, #tpu.memory_space<vmem>> -> memref<40xi32, #tpu.memory_space<vmem>>
        %dma_start3A_146 = arith.constant 0 : i32
        %dma_start3A_147 = arith.constant 0 : i32
        %dma_start3A_148 = tpu.memref_slice %arg2[%dma_start3A_146, %dma_start3A_147] : memref<10000x128xf32, #tpu.memory_space<hbm>> -> memref<10000x128xf32, #tpu.memory_space<hbm>>
        tpu.enqueue_indirect_dma source(%dma_start3A_148 : memref<10000x128xf32, #tpu.memory_space<hbm>>) target(%arg12 : memref<40x128xf32, #tpu.memory_space<vmem>>) offsets(%dma_start3A_145 : memref<40xi32, #tpu.memory_space<vmem>>) semaphore(%arg22 : memref<!tpu.dma_semaphore, #tpu.memory_space<semaphore_mem>>)
        %add3A_149 = arith.constant 1 : i32
        %add3A_150 = arith.addi %mul3A_112, %add3A_149 : i32
        %mul3A_151 = arith.constant 40 : i32
        %mul3A_152 = arith.muli %add3A_150, %mul3A_151 : i32
        %dma_wait3A_153 = tpu.memref_slice %arg6[%mul3A_152] : memref<2000xi32, #tpu.memory_space<vmem>> -> memref<40xi32, #tpu.memory_space<vmem>>
        %dma_wait3A_154 = arith.constant 0 : i32
        %dma_wait3A_155 = arith.constant 0 : i32
        %dma_wait3A_156 = tpu.memref_slice %arg2[%dma_wait3A_154, %dma_wait3A_155] : memref<10000x128xf32, #tpu.memory_space<hbm>> -> memref<10000x128xf32, #tpu.memory_space<hbm>>
        tpu.wait_indirect_dma semaphore(%arg19 : memref<!tpu.dma_semaphore, #tpu.memory_space<semaphore_mem>>) src(%dma_wait3A_156 : memref<10000x128xf32, #tpu.memory_space<hbm>>) dst(%arg9 : memref<40x128xf32, #tpu.memory_space<vmem>>)
        %mul3A_157 = arith.constant 40 : i32
        %mul3A_158 = arith.muli %add3A_150, %mul3A_157 : i32
        %dma_start3A_159 = tpu.memref_slice %arg7[%mul3A_158] : memref<2000xi32, #tpu.memory_space<vmem>> -> memref<40xi32, #tpu.memory_space<vmem>>
        %dma_start3A_160 = arith.constant 0 : i32
        %dma_start3A_161 = arith.constant 0 : i32
        %dma_start3A_162 = tpu.memref_slice %arg16[%dma_start3A_160, %dma_start3A_161] : memref<10000x128xf32, #tpu.memory_space<vmem_shared>> -> memref<10000x128xf32, #tpu.memory_space<vmem_shared>>
        tpu.enqueue_indirect_dma source(%arg9 : memref<40x128xf32, #tpu.memory_space<vmem>>) target(%dma_start3A_162 : memref<10000x128xf32, #tpu.memory_space<vmem_shared>>) offsets(%dma_start3A_159 : memref<40xi32, #tpu.memory_space<vmem>>) semaphore(%arg24 : memref<!tpu.dma_semaphore, #tpu.memory_space<semaphore_mem>>) {add = true}
        %mul3A_163 = arith.constant 40 : i32
        %mul3A_164 = arith.muli %add3A_150, %mul3A_163 : i32
        %dma_start3A_165 = tpu.memref_slice %arg7[%mul3A_164] : memref<2000xi32, #tpu.memory_space<vmem>> -> memref<40xi32, #tpu.memory_space<vmem>>
        %dma_start3A_166 = arith.constant 0 : i32
        %dma_start3A_167 = arith.constant 0 : i32
        %dma_start3A_168 = tpu.memref_slice %arg17[%dma_start3A_166, %dma_start3A_167] : memref<10000x16xf32, #tpu.memory_space<vmem_shared>> -> memref<10000x16xf32, #tpu.memory_space<vmem_shared>>
        tpu.enqueue_indirect_dma source(%arg13 : memref<40x16xf32, #tpu.memory_space<vmem>>) target(%dma_start3A_168 : memref<10000x16xf32, #tpu.memory_space<vmem_shared>>) offsets(%dma_start3A_165 : memref<40xi32, #tpu.memory_space<vmem>>) semaphore(%arg28 : memref<!tpu.dma_semaphore, #tpu.memory_space<semaphore_mem>>) {add = true}
        %dma_wait3A_169 = arith.constant 0 : i32
        %dma_wait3A_170 = tpu.memref_slice %arg7[%dma_wait3A_169] : memref<2000xi32, #tpu.memory_space<vmem>> -> memref<40xi32, #tpu.memory_space<vmem>>
        %dma_wait3A_171 = arith.constant 0 : i32
        %dma_wait3A_172 = arith.constant 0 : i32
        %dma_wait3A_173 = tpu.memref_slice %arg16[%dma_wait3A_171, %dma_wait3A_172] : memref<10000x128xf32, #tpu.memory_space<vmem_shared>> -> memref<10000x128xf32, #tpu.memory_space<vmem_shared>>
        tpu.wait_indirect_dma semaphore(%arg23 : memref<!tpu.dma_semaphore, #tpu.memory_space<semaphore_mem>>) src(%arg8 : memref<40x128xf32, #tpu.memory_space<vmem>>) dst(%dma_wait3A_173 : memref<10000x128xf32, #tpu.memory_space<vmem_shared>>)
        %dma_wait3A_174 = arith.constant 0 : i32
        %dma_wait3A_175 = tpu.memref_slice %arg7[%dma_wait3A_174] : memref<2000xi32, #tpu.memory_space<vmem>> -> memref<40xi32, #tpu.memory_space<vmem>>
        %dma_wait3A_176 = arith.constant 0 : i32
        %dma_wait3A_177 = arith.constant 0 : i32
        %dma_wait3A_178 = tpu.memref_slice %arg17[%dma_wait3A_176, %dma_wait3A_177] : memref<10000x16xf32, #tpu.memory_space<vmem_shared>> -> memref<10000x16xf32, #tpu.memory_space<vmem_shared>>
        tpu.wait_indirect_dma semaphore(%arg28 : memref<!tpu.dma_semaphore, #tpu.memory_space<semaphore_mem>>) src(%arg13 : memref<40x16xf32, #tpu.memory_space<vmem>>) dst(%dma_wait3A_178 : memref<10000x16xf32, #tpu.memory_space<vmem_shared>>)
        %lt3A = arith.constant 9 : i32
        %lt3A_179 = arith.cmpi slt, %add3A_110, %lt3A : i32
        %convert_element_type3A_180 = arith.extui %lt3A_179 : i1 to i32
        %cond3A_181 = arith.constant 0 : i32
        %cond3A_182 = arith.cmpi ne, %convert_element_type3A_180, %cond3A_181 : i32
        scf.if %cond3A_182 {
          %add3A_288 = arith.constant 5 : i32
          %add3A_289 = arith.addi %add3A_150, %add3A_288 : i32
          %sub3A_290 = arith.constant 1 : i32
          %sub3A_291 = arith.subi %add3A_289, %sub3A_290 : i32
          %mul3A_292 = arith.constant 40 : i32
          %mul3A_293 = arith.muli %sub3A_291, %mul3A_292 : i32
          %dma_start3A_294 = tpu.memref_slice %arg6[%mul3A_293] : memref<2000xi32, #tpu.memory_space<vmem>> -> memref<40xi32, #tpu.memory_space<vmem>>
          %dma_start3A_295 = arith.constant 0 : i32
          %dma_start3A_296 = arith.constant 0 : i32
          %dma_start3A_297 = tpu.memref_slice %arg2[%dma_start3A_295, %dma_start3A_296] : memref<10000x128xf32, #tpu.memory_space<hbm>> -> memref<10000x128xf32, #tpu.memory_space<hbm>>
          tpu.enqueue_indirect_dma source(%dma_start3A_297 : memref<10000x128xf32, #tpu.memory_space<hbm>>) target(%arg8 : memref<40x128xf32, #tpu.memory_space<vmem>>) offsets(%dma_start3A_294 : memref<40xi32, #tpu.memory_space<vmem>>) semaphore(%arg18 : memref<!tpu.dma_semaphore, #tpu.memory_space<semaphore_mem>>)
        } else {
        }
        %add3A_183 = arith.constant 2 : i32
        %add3A_184 = arith.addi %mul3A_112, %add3A_183 : i32
        %mul3A_185 = arith.constant 40 : i32
        %mul3A_186 = arith.muli %add3A_184, %mul3A_185 : i32
        %dma_wait3A_187 = tpu.memref_slice %arg6[%mul3A_186] : memref<2000xi32, #tpu.memory_space<vmem>> -> memref<40xi32, #tpu.memory_space<vmem>>
        %dma_wait3A_188 = arith.constant 0 : i32
        %dma_wait3A_189 = arith.constant 0 : i32
        %dma_wait3A_190 = tpu.memref_slice %arg2[%dma_wait3A_188, %dma_wait3A_189] : memref<10000x128xf32, #tpu.memory_space<hbm>> -> memref<10000x128xf32, #tpu.memory_space<hbm>>
        tpu.wait_indirect_dma semaphore(%arg20 : memref<!tpu.dma_semaphore, #tpu.memory_space<semaphore_mem>>) src(%dma_wait3A_190 : memref<10000x128xf32, #tpu.memory_space<hbm>>) dst(%arg10 : memref<40x128xf32, #tpu.memory_space<vmem>>)
        %mul3A_191 = arith.constant 40 : i32
        %mul3A_192 = arith.muli %add3A_184, %mul3A_191 : i32
        %dma_start3A_193 = tpu.memref_slice %arg7[%mul3A_192] : memref<2000xi32, #tpu.memory_space<vmem>> -> memref<40xi32, #tpu.memory_space<vmem>>
        %dma_start3A_194 = arith.constant 0 : i32
        %dma_start3A_195 = arith.constant 0 : i32
        %dma_start3A_196 = tpu.memref_slice %arg16[%dma_start3A_194, %dma_start3A_195] : memref<10000x128xf32, #tpu.memory_space<vmem_shared>> -> memref<10000x128xf32, #tpu.memory_space<vmem_shared>>
        tpu.enqueue_indirect_dma source(%arg10 : memref<40x128xf32, #tpu.memory_space<vmem>>) target(%dma_start3A_196 : memref<10000x128xf32, #tpu.memory_space<vmem_shared>>) offsets(%dma_start3A_193 : memref<40xi32, #tpu.memory_space<vmem>>) semaphore(%arg25 : memref<!tpu.dma_semaphore, #tpu.memory_space<semaphore_mem>>) {add = true}
        %mul3A_197 = arith.constant 40 : i32
        %mul3A_198 = arith.muli %add3A_184, %mul3A_197 : i32
        %dma_start3A_199 = tpu.memref_slice %arg7[%mul3A_198] : memref<2000xi32, #tpu.memory_space<vmem>> -> memref<40xi32, #tpu.memory_space<vmem>>
        %dma_start3A_200 = arith.constant 0 : i32
        %dma_start3A_201 = arith.constant 0 : i32
        %dma_start3A_202 = tpu.memref_slice %arg17[%dma_start3A_200, %dma_start3A_201] : memref<10000x16xf32, #tpu.memory_space<vmem_shared>> -> memref<10000x16xf32, #tpu.memory_space<vmem_shared>>
        tpu.enqueue_indirect_dma source(%arg13 : memref<40x16xf32, #tpu.memory_space<vmem>>) target(%dma_start3A_202 : memref<10000x16xf32, #tpu.memory_space<vmem_shared>>) offsets(%dma_start3A_199 : memref<40xi32, #tpu.memory_space<vmem>>) semaphore(%arg28 : memref<!tpu.dma_semaphore, #tpu.memory_space<semaphore_mem>>) {add = true}
        %dma_wait3A_203 = arith.constant 0 : i32
        %dma_wait3A_204 = tpu.memref_slice %arg7[%dma_wait3A_203] : memref<2000xi32, #tpu.memory_space<vmem>> -> memref<40xi32, #tpu.memory_space<vmem>>
        %dma_wait3A_205 = arith.constant 0 : i32
        %dma_wait3A_206 = arith.constant 0 : i32
        %dma_wait3A_207 = tpu.memref_slice %arg16[%dma_wait3A_205, %dma_wait3A_206] : memref<10000x128xf32, #tpu.memory_space<vmem_shared>> -> memref<10000x128xf32, #tpu.memory_space<vmem_shared>>
        tpu.wait_indirect_dma semaphore(%arg24 : memref<!tpu.dma_semaphore, #tpu.memory_space<semaphore_mem>>) src(%arg9 : memref<40x128xf32, #tpu.memory_space<vmem>>) dst(%dma_wait3A_207 : memref<10000x128xf32, #tpu.memory_space<vmem_shared>>)
        %dma_wait3A_208 = arith.constant 0 : i32
        %dma_wait3A_209 = tpu.memref_slice %arg7[%dma_wait3A_208] : memref<2000xi32, #tpu.memory_space<vmem>> -> memref<40xi32, #tpu.memory_space<vmem>>
        %dma_wait3A_210 = arith.constant 0 : i32
        %dma_wait3A_211 = arith.constant 0 : i32
        %dma_wait3A_212 = tpu.memref_slice %arg17[%dma_wait3A_210, %dma_wait3A_211] : memref<10000x16xf32, #tpu.memory_space<vmem_shared>> -> memref<10000x16xf32, #tpu.memory_space<vmem_shared>>
        tpu.wait_indirect_dma semaphore(%arg28 : memref<!tpu.dma_semaphore, #tpu.memory_space<semaphore_mem>>) src(%arg13 : memref<40x16xf32, #tpu.memory_space<vmem>>) dst(%dma_wait3A_212 : memref<10000x16xf32, #tpu.memory_space<vmem_shared>>)
        %lt3A_213 = arith.constant 9 : i32
        %lt3A_214 = arith.cmpi slt, %add3A_110, %lt3A_213 : i32
        %convert_element_type3A_215 = arith.extui %lt3A_214 : i1 to i32
        %cond3A_216 = arith.constant 0 : i32
        %cond3A_217 = arith.cmpi ne, %convert_element_type3A_215, %cond3A_216 : i32
        scf.if %cond3A_217 {
          %add3A_288 = arith.constant 5 : i32
          %add3A_289 = arith.addi %add3A_184, %add3A_288 : i32
          %sub3A_290 = arith.constant 1 : i32
          %sub3A_291 = arith.subi %add3A_289, %sub3A_290 : i32
          %mul3A_292 = arith.constant 40 : i32
          %mul3A_293 = arith.muli %sub3A_291, %mul3A_292 : i32
          %dma_start3A_294 = tpu.memref_slice %arg6[%mul3A_293] : memref<2000xi32, #tpu.memory_space<vmem>> -> memref<40xi32, #tpu.memory_space<vmem>>
          %dma_start3A_295 = arith.constant 0 : i32
          %dma_start3A_296 = arith.constant 0 : i32
          %dma_start3A_297 = tpu.memref_slice %arg2[%dma_start3A_295, %dma_start3A_296] : memref<10000x128xf32, #tpu.memory_space<hbm>> -> memref<10000x128xf32, #tpu.memory_space<hbm>>
          tpu.enqueue_indirect_dma source(%dma_start3A_297 : memref<10000x128xf32, #tpu.memory_space<hbm>>) target(%arg9 : memref<40x128xf32, #tpu.memory_space<vmem>>) offsets(%dma_start3A_294 : memref<40xi32, #tpu.memory_space<vmem>>) semaphore(%arg19 : memref<!tpu.dma_semaphore, #tpu.memory_space<semaphore_mem>>)
        } else {
        }
        %add3A_218 = arith.constant 3 : i32
        %add3A_219 = arith.addi %mul3A_112, %add3A_218 : i32
        %mul3A_220 = arith.constant 40 : i32
        %mul3A_221 = arith.muli %add3A_219, %mul3A_220 : i32
        %dma_wait3A_222 = tpu.memref_slice %arg6[%mul3A_221] : memref<2000xi32, #tpu.memory_space<vmem>> -> memref<40xi32, #tpu.memory_space<vmem>>
        %dma_wait3A_223 = arith.constant 0 : i32
        %dma_wait3A_224 = arith.constant 0 : i32
        %dma_wait3A_225 = tpu.memref_slice %arg2[%dma_wait3A_223, %dma_wait3A_224] : memref<10000x128xf32, #tpu.memory_space<hbm>> -> memref<10000x128xf32, #tpu.memory_space<hbm>>
        tpu.wait_indirect_dma semaphore(%arg21 : memref<!tpu.dma_semaphore, #tpu.memory_space<semaphore_mem>>) src(%dma_wait3A_225 : memref<10000x128xf32, #tpu.memory_space<hbm>>) dst(%arg11 : memref<40x128xf32, #tpu.memory_space<vmem>>)
        %mul3A_226 = arith.constant 40 : i32
        %mul3A_227 = arith.muli %add3A_219, %mul3A_226 : i32
        %dma_start3A_228 = tpu.memref_slice %arg7[%mul3A_227] : memref<2000xi32, #tpu.memory_space<vmem>> -> memref<40xi32, #tpu.memory_space<vmem>>
        %dma_start3A_229 = arith.constant 0 : i32
        %dma_start3A_230 = arith.constant 0 : i32
        %dma_start3A_231 = tpu.memref_slice %arg16[%dma_start3A_229, %dma_start3A_230] : memref<10000x128xf32, #tpu.memory_space<vmem_shared>> -> memref<10000x128xf32, #tpu.memory_space<vmem_shared>>
        tpu.enqueue_indirect_dma source(%arg11 : memref<40x128xf32, #tpu.memory_space<vmem>>) target(%dma_start3A_231 : memref<10000x128xf32, #tpu.memory_space<vmem_shared>>) offsets(%dma_start3A_228 : memref<40xi32, #tpu.memory_space<vmem>>) semaphore(%arg26 : memref<!tpu.dma_semaphore, #tpu.memory_space<semaphore_mem>>) {add = true}
        %mul3A_232 = arith.constant 40 : i32
        %mul3A_233 = arith.muli %add3A_219, %mul3A_232 : i32
        %dma_start3A_234 = tpu.memref_slice %arg7[%mul3A_233] : memref<2000xi32, #tpu.memory_space<vmem>> -> memref<40xi32, #tpu.memory_space<vmem>>
        %dma_start3A_235 = arith.constant 0 : i32
        %dma_start3A_236 = arith.constant 0 : i32
        %dma_start3A_237 = tpu.memref_slice %arg17[%dma_start3A_235, %dma_start3A_236] : memref<10000x16xf32, #tpu.memory_space<vmem_shared>> -> memref<10000x16xf32, #tpu.memory_space<vmem_shared>>
        tpu.enqueue_indirect_dma source(%arg13 : memref<40x16xf32, #tpu.memory_space<vmem>>) target(%dma_start3A_237 : memref<10000x16xf32, #tpu.memory_space<vmem_shared>>) offsets(%dma_start3A_234 : memref<40xi32, #tpu.memory_space<vmem>>) semaphore(%arg28 : memref<!tpu.dma_semaphore, #tpu.memory_space<semaphore_mem>>) {add = true}
        %dma_wait3A_238 = arith.constant 0 : i32
        %dma_wait3A_239 = tpu.memref_slice %arg7[%dma_wait3A_238] : memref<2000xi32, #tpu.memory_space<vmem>> -> memref<40xi32, #tpu.memory_space<vmem>>
        %dma_wait3A_240 = arith.constant 0 : i32
        %dma_wait3A_241 = arith.constant 0 : i32
        %dma_wait3A_242 = tpu.memref_slice %arg16[%dma_wait3A_240, %dma_wait3A_241] : memref<10000x128xf32, #tpu.memory_space<vmem_shared>> -> memref<10000x128xf32, #tpu.memory_space<vmem_shared>>
        tpu.wait_indirect_dma semaphore(%arg25 : memref<!tpu.dma_semaphore, #tpu.memory_space<semaphore_mem>>) src(%arg10 : memref<40x128xf32, #tpu.memory_space<vmem>>) dst(%dma_wait3A_242 : memref<10000x128xf32, #tpu.memory_space<vmem_shared>>)
        %dma_wait3A_243 = arith.constant 0 : i32
        %dma_wait3A_244 = tpu.memref_slice %arg7[%dma_wait3A_243] : memref<2000xi32, #tpu.memory_space<vmem>> -> memref<40xi32, #tpu.memory_space<vmem>>
        %dma_wait3A_245 = arith.constant 0 : i32
        %dma_wait3A_246 = arith.constant 0 : i32
        %dma_wait3A_247 = tpu.memref_slice %arg17[%dma_wait3A_245, %dma_wait3A_246] : memref<10000x16xf32, #tpu.memory_space<vmem_shared>> -> memref<10000x16xf32, #tpu.memory_space<vmem_shared>>
        tpu.wait_indirect_dma semaphore(%arg28 : memref<!tpu.dma_semaphore, #tpu.memory_space<semaphore_mem>>) src(%arg13 : memref<40x16xf32, #tpu.memory_space<vmem>>) dst(%dma_wait3A_247 : memref<10000x16xf32, #tpu.memory_space<vmem_shared>>)
        %lt3A_248 = arith.constant 9 : i32
        %lt3A_249 = arith.cmpi slt, %add3A_110, %lt3A_248 : i32
        %convert_element_type3A_250 = arith.extui %lt3A_249 : i1 to i32
        %cond3A_251 = arith.constant 0 : i32
        %cond3A_252 = arith.cmpi ne, %convert_element_type3A_250, %cond3A_251 : i32
        scf.if %cond3A_252 {
          %add3A_288 = arith.constant 5 : i32
          %add3A_289 = arith.addi %add3A_219, %add3A_288 : i32
          %sub3A_290 = arith.constant 1 : i32
          %sub3A_291 = arith.subi %add3A_289, %sub3A_290 : i32
          %mul3A_292 = arith.constant 40 : i32
          %mul3A_293 = arith.muli %sub3A_291, %mul3A_292 : i32
          %dma_start3A_294 = tpu.memref_slice %arg6[%mul3A_293] : memref<2000xi32, #tpu.memory_space<vmem>> -> memref<40xi32, #tpu.memory_space<vmem>>
          %dma_start3A_295 = arith.constant 0 : i32
          %dma_start3A_296 = arith.constant 0 : i32
          %dma_start3A_297 = tpu.memref_slice %arg2[%dma_start3A_295, %dma_start3A_296] : memref<10000x128xf32, #tpu.memory_space<hbm>> -> memref<10000x128xf32, #tpu.memory_space<hbm>>
          tpu.enqueue_indirect_dma source(%dma_start3A_297 : memref<10000x128xf32, #tpu.memory_space<hbm>>) target(%arg10 : memref<40x128xf32, #tpu.memory_space<vmem>>) offsets(%dma_start3A_294 : memref<40xi32, #tpu.memory_space<vmem>>) semaphore(%arg20 : memref<!tpu.dma_semaphore, #tpu.memory_space<semaphore_mem>>)
        } else {
        }
        %add3A_253 = arith.constant 4 : i32
        %add3A_254 = arith.addi %mul3A_112, %add3A_253 : i32
        %mul3A_255 = arith.constant 40 : i32
        %mul3A_256 = arith.muli %add3A_254, %mul3A_255 : i32
        %dma_wait3A_257 = tpu.memref_slice %arg6[%mul3A_256] : memref<2000xi32, #tpu.memory_space<vmem>> -> memref<40xi32, #tpu.memory_space<vmem>>
        %dma_wait3A_258 = arith.constant 0 : i32
        %dma_wait3A_259 = arith.constant 0 : i32
        %dma_wait3A_260 = tpu.memref_slice %arg2[%dma_wait3A_258, %dma_wait3A_259] : memref<10000x128xf32, #tpu.memory_space<hbm>> -> memref<10000x128xf32, #tpu.memory_space<hbm>>
        tpu.wait_indirect_dma semaphore(%arg22 : memref<!tpu.dma_semaphore, #tpu.memory_space<semaphore_mem>>) src(%dma_wait3A_260 : memref<10000x128xf32, #tpu.memory_space<hbm>>) dst(%arg12 : memref<40x128xf32, #tpu.memory_space<vmem>>)
        %mul3A_261 = arith.constant 40 : i32
        %mul3A_262 = arith.muli %add3A_254, %mul3A_261 : i32
        %dma_start3A_263 = tpu.memref_slice %arg7[%mul3A_262] : memref<2000xi32, #tpu.memory_space<vmem>> -> memref<40xi32, #tpu.memory_space<vmem>>
        %dma_start3A_264 = arith.constant 0 : i32
        %dma_start3A_265 = arith.constant 0 : i32
        %dma_start3A_266 = tpu.memref_slice %arg16[%dma_start3A_264, %dma_start3A_265] : memref<10000x128xf32, #tpu.memory_space<vmem_shared>> -> memref<10000x128xf32, #tpu.memory_space<vmem_shared>>
        tpu.enqueue_indirect_dma source(%arg12 : memref<40x128xf32, #tpu.memory_space<vmem>>) target(%dma_start3A_266 : memref<10000x128xf32, #tpu.memory_space<vmem_shared>>) offsets(%dma_start3A_263 : memref<40xi32, #tpu.memory_space<vmem>>) semaphore(%arg27 : memref<!tpu.dma_semaphore, #tpu.memory_space<semaphore_mem>>) {add = true}
        %mul3A_267 = arith.constant 40 : i32
        %mul3A_268 = arith.muli %add3A_254, %mul3A_267 : i32
        %dma_start3A_269 = tpu.memref_slice %arg7[%mul3A_268] : memref<2000xi32, #tpu.memory_space<vmem>> -> memref<40xi32, #tpu.memory_space<vmem>>
        %dma_start3A_270 = arith.constant 0 : i32
        %dma_start3A_271 = arith.constant 0 : i32
        %dma_start3A_272 = tpu.memref_slice %arg17[%dma_start3A_270, %dma_start3A_271] : memref<10000x16xf32, #tpu.memory_space<vmem_shared>> -> memref<10000x16xf32, #tpu.memory_space<vmem_shared>>
        tpu.enqueue_indirect_dma source(%arg13 : memref<40x16xf32, #tpu.memory_space<vmem>>) target(%dma_start3A_272 : memref<10000x16xf32, #tpu.memory_space<vmem_shared>>) offsets(%dma_start3A_269 : memref<40xi32, #tpu.memory_space<vmem>>) semaphore(%arg28 : memref<!tpu.dma_semaphore, #tpu.memory_space<semaphore_mem>>) {add = true}
        %dma_wait3A_273 = arith.constant 0 : i32
        %dma_wait3A_274 = tpu.memref_slice %arg7[%dma_wait3A_273] : memref<2000xi32, #tpu.memory_space<vmem>> -> memref<40xi32, #tpu.memory_space<vmem>>
        %dma_wait3A_275 = arith.constant 0 : i32
        %dma_wait3A_276 = arith.constant 0 : i32
        %dma_wait3A_277 = tpu.memref_slice %arg16[%dma_wait3A_275, %dma_wait3A_276] : memref<10000x128xf32, #tpu.memory_space<vmem_shared>> -> memref<10000x128xf32, #tpu.memory_space<vmem_shared>>
        tpu.wait_indirect_dma semaphore(%arg26 : memref<!tpu.dma_semaphore, #tpu.memory_space<semaphore_mem>>) src(%arg11 : memref<40x128xf32, #tpu.memory_space<vmem>>) dst(%dma_wait3A_277 : memref<10000x128xf32, #tpu.memory_space<vmem_shared>>)
        %dma_wait3A_278 = arith.constant 0 : i32
        %dma_wait3A_279 = tpu.memref_slice %arg7[%dma_wait3A_278] : memref<2000xi32, #tpu.memory_space<vmem>> -> memref<40xi32, #tpu.memory_space<vmem>>
        %dma_wait3A_280 = arith.constant 0 : i32
        %dma_wait3A_281 = arith.constant 0 : i32
        %dma_wait3A_282 = tpu.memref_slice %arg17[%dma_wait3A_280, %dma_wait3A_281] : memref<10000x16xf32, #tpu.memory_space<vmem_shared>> -> memref<10000x16xf32, #tpu.memory_space<vmem_shared>>
        tpu.wait_indirect_dma semaphore(%arg28 : memref<!tpu.dma_semaphore, #tpu.memory_space<semaphore_mem>>) src(%arg13 : memref<40x16xf32, #tpu.memory_space<vmem>>) dst(%dma_wait3A_282 : memref<10000x16xf32, #tpu.memory_space<vmem_shared>>)
        %lt3A_283 = arith.constant 9 : i32
        %lt3A_284 = arith.cmpi slt, %add3A_110, %lt3A_283 : i32
        %convert_element_type3A_285 = arith.extui %lt3A_284 : i1 to i32
        %cond3A_286 = arith.constant 0 : i32
        %cond3A_287 = arith.cmpi ne, %convert_element_type3A_285, %cond3A_286 : i32
        scf.if %cond3A_287 {
          %add3A_288 = arith.constant 5 : i32
          %add3A_289 = arith.addi %add3A_254, %add3A_288 : i32
          %sub3A_290 = arith.constant 1 : i32
          %sub3A_291 = arith.subi %add3A_289, %sub3A_290 : i32
          %mul3A_292 = arith.constant 40 : i32
          %mul3A_293 = arith.muli %sub3A_291, %mul3A_292 : i32
          %dma_start3A_294 = tpu.memref_slice %arg6[%mul3A_293] : memref<2000xi32, #tpu.memory_space<vmem>> -> memref<40xi32, #tpu.memory_space<vmem>>
          %dma_start3A_295 = arith.constant 0 : i32
          %dma_start3A_296 = arith.constant 0 : i32
          %dma_start3A_297 = tpu.memref_slice %arg2[%dma_start3A_295, %dma_start3A_296] : memref<10000x128xf32, #tpu.memory_space<hbm>> -> memref<10000x128xf32, #tpu.memory_space<hbm>>
          tpu.enqueue_indirect_dma source(%dma_start3A_297 : memref<10000x128xf32, #tpu.memory_space<hbm>>) target(%arg11 : memref<40x128xf32, #tpu.memory_space<vmem>>) offsets(%dma_start3A_294 : memref<40xi32, #tpu.memory_space<vmem>>) semaphore(%arg21 : memref<!tpu.dma_semaphore, #tpu.memory_space<semaphore_mem>>)
        } else {
        }
      }
      %scan3A_100 = arith.constant 10 : i32
      %dma_wait3A_101 = arith.constant 0 : i32
      %dma_wait3A_102 = tpu.memref_slice %arg7[%dma_wait3A_101] : memref<2000xi32, #tpu.memory_space<vmem>> -> memref<40xi32, #tpu.memory_space<vmem>>
      %dma_wait3A_103 = arith.constant 0 : i32
      %dma_wait3A_104 = arith.constant 0 : i32
      %dma_wait3A_105 = tpu.memref_slice %arg16[%dma_wait3A_103, %dma_wait3A_104] : memref<10000x128xf32, #tpu.memory_space<vmem_shared>> -> memref<10000x128xf32, #tpu.memory_space<vmem_shared>>
      tpu.wait_indirect_dma semaphore(%arg27 : memref<!tpu.dma_semaphore, #tpu.memory_space<semaphore_mem>>) src(%arg12 : memref<40x128xf32, #tpu.memory_space<vmem>>) dst(%dma_wait3A_105 : memref<10000x128xf32, #tpu.memory_space<vmem_shared>>)
    }
    %scan3A_28 = arith.constant 5 : i32
    %barrier3A_29 = arith.constant 0 : index
    tpu.barrier barrier_id(%barrier3A_29)
    %scan3A_30 = arith.constant 0 : i32
    %scan3A_31 = arith.constant 5 : i32
    %scan3A_32 = arith.addi %scan3A_30, %scan3A_31 : i32
    %scan3A_33 = arith.constant 1 : i32
    scf.for %scan3A_48 = %scan3A_30 to %scan3A_32 step %scan3A_33  : i32 {
      %mul3A_49 = arith.constant 1 : i32
      %mul3A_50 = arith.muli %scan3A_48, %mul3A_49 : i32
      %add3A_51 = arith.constant 0 : i32
      %add3A_52 = arith.addi %add3A_51, %mul3A_50 : i32
      %mul3A_53 = arith.constant 125 : i32
      %mul3A_54 = arith.muli %add3A_52, %mul3A_53 : i32
      %add3A_55 = arith.addi %mul3A_4, %mul3A_54 : i32
      %dma_start3A_56 = arith.constant 0 : i32
      %dma_start3A_57 = tpu.memref_slice %arg4[%arg0, %add3A_55, %dma_start3A_56] : memref<2x10000x128xf32, #tpu.memory_space<hbm>> -> memref<1x125x128xf32, #tpu.memory_space<hbm>>
      %dma_start3A_58 = tpu.memref_squeeze %dma_start3A_57 : memref<1x125x128xf32, #tpu.memory_space<hbm>> -> memref<125x128xf32, #tpu.memory_space<hbm>>
      %dma_start3A_59 = arith.constant 0 : i32
      %dma_start3A_60 = tpu.memref_slice %arg16[%add3A_55, %dma_start3A_59] : memref<10000x128xf32, #tpu.memory_space<vmem_shared>> -> memref<125x128xf32, #tpu.memory_space<vmem_shared>>
      tpu.enqueue_dma source(%dma_start3A_60 : memref<125x128xf32, #tpu.memory_space<vmem_shared>>) target(%dma_start3A_58 : memref<125x128xf32, #tpu.memory_space<hbm>>) target_semaphore(%arg29 : memref<!tpu.dma_semaphore, #tpu.memory_space<semaphore_mem>>)
    }
    %scan3A_34 = arith.constant 5 : i32
    %dma_start3A = arith.constant 0 : i32
    %dma_start3A_35 = tpu.memref_slice %arg5[%arg0, %mul3A_4, %dma_start3A] : memref<2x10000x16xf32, #tpu.memory_space<hbm>> -> memref<1x625x16xf32, #tpu.memory_space<hbm>>
    %dma_start3A_36 = tpu.memref_squeeze %dma_start3A_35 : memref<1x625x16xf32, #tpu.memory_space<hbm>> -> memref<625x16xf32, #tpu.memory_space<hbm>>
    %dma_start3A_37 = arith.constant 0 : i32
    %dma_start3A_38 = tpu.memref_slice %arg17[%mul3A_4, %dma_start3A_37] : memref<10000x16xf32, #tpu.memory_space<vmem_shared>> -> memref<625x16xf32, #tpu.memory_space<vmem_shared>>
    tpu.enqueue_dma source(%dma_start3A_38 : memref<625x16xf32, #tpu.memory_space<vmem_shared>>) target(%dma_start3A_36 : memref<625x16xf32, #tpu.memory_space<hbm>>) target_semaphore(%arg29 : memref<!tpu.dma_semaphore, #tpu.memory_space<semaphore_mem>>)
    %scan3A_39 = arith.constant 0 : i32
    %scan3A_40 = arith.constant 5 : i32
    %scan3A_41 = arith.addi %scan3A_39, %scan3A_40 : i32
    %scan3A_42 = arith.constant 1 : i32
    scf.for %scan3A_48 = %scan3A_39 to %scan3A_41 step %scan3A_42  : i32 {
      %mul3A_49 = arith.constant 1 : i32
      %mul3A_50 = arith.muli %scan3A_48, %mul3A_49 : i32
      %add3A_51 = arith.constant 0 : i32
      %add3A_52 = arith.addi %add3A_51, %mul3A_50 : i32
      %dma_wait3A_53 = arith.constant 0 : i32
      %dma_wait3A_54 = tpu.memref_slice %arg4[%arg0, %mul3A_4, %dma_wait3A_53] : memref<2x10000x128xf32, #tpu.memory_space<hbm>> -> memref<1x125x128xf32, #tpu.memory_space<hbm>>
      %dma_wait3A_55 = tpu.memref_squeeze %dma_wait3A_54 : memref<1x125x128xf32, #tpu.memory_space<hbm>> -> memref<125x128xf32, #tpu.memory_space<hbm>>
      %dma_wait3A_56 = arith.constant 0 : i32
      %dma_wait3A_57 = tpu.memref_slice %arg16[%mul3A_4, %dma_wait3A_56] : memref<10000x128xf32, #tpu.memory_space<vmem_shared>> -> memref<125x128xf32, #tpu.memory_space<vmem_shared>>
      tpu.wait_dma2 semaphore(%arg29 : memref<!tpu.dma_semaphore, #tpu.memory_space<semaphore_mem>>) src(%dma_wait3A_57 : memref<125x128xf32, #tpu.memory_space<vmem_shared>>) dst(%dma_wait3A_55 : memref<125x128xf32, #tpu.memory_space<hbm>>)
    }
    %scan3A_43 = arith.constant 5 : i32
    %dma_wait3A = arith.constant 0 : i32
    %dma_wait3A_44 = tpu.memref_slice %arg5[%arg0, %mul3A_4, %dma_wait3A] : memref<2x10000x16xf32, #tpu.memory_space<hbm>> -> memref<1x625x16xf32, #tpu.memory_space<hbm>>
    %dma_wait3A_45 = tpu.memref_squeeze %dma_wait3A_44 : memref<1x625x16xf32, #tpu.memory_space<hbm>> -> memref<625x16xf32, #tpu.memory_space<hbm>>
    %dma_wait3A_46 = arith.constant 0 : i32
    %dma_wait3A_47 = tpu.memref_slice %arg17[%mul3A_4, %dma_wait3A_46] : memref<10000x16xf32, #tpu.memory_space<vmem_shared>> -> memref<625x16xf32, #tpu.memory_space<vmem_shared>>
    tpu.wait_dma2 semaphore(%arg29 : memref<!tpu.dma_semaphore, #tpu.memory_space<semaphore_mem>>) src(%dma_wait3A_47 : memref<625x16xf32, #tpu.memory_space<vmem_shared>>) dst(%dma_wait3A_45 : memref<625x16xf32, #tpu.memory_space<hbm>>)
    return
  }
}

module attributes {stable_mosaic.version = 14 : i64} {
  func.func @body(%arg0: i32, %arg1: memref<2000x128xf32, #tpu.memory_space<vmem>>, %arg2: memref<128x128xf32, #tpu.memory_space<vmem>>, %arg3: memref<1x128xf32, #tpu.memory_space<vmem>>, %arg4: memref<2000x128xf32, #tpu.memory_space<vmem>>) attributes {dimension_semantics = [#tpu.dimension_semantics<arbitrary>], iteration_bounds = array<i64: 5>, scalar_prefetch = 0 : i64, scratch_operands = 0 : i64, tpu.core_type = #tpu.core_type<tc>, window_params = [{transform_indices = @transform_0, window_bounds = array<i64: 2000, 128>}, {pipeline_mode = #tpu.pipeline_mode<synchronous>, transform_indices = @transform_1, window_bounds = array<i64: 128, 128>}, {pipeline_mode = #tpu.pipeline_mode<synchronous>, transform_indices = @transform_2, window_bounds = array<i64: 1, 128>}, {transform_indices = @transform_3, window_bounds = array<i64: 2000, 128>}]} {
    %get3A = arith.constant 0 : index
    %get3A_0 = arith.constant 0 : index
    %get3A_1 = vector.load %arg1[%get3A, %get3A_0] : memref<2000x128xf32, #tpu.memory_space<vmem>>, vector<2000x128xf32>
    %get3A_2 = arith.constant 0 : index
    %get3A_3 = arith.constant 0 : index
    %get3A_4 = vector.load %arg2[%get3A_2, %get3A_3] : memref<128x128xf32, #tpu.memory_space<vmem>>, vector<128x128xf32>
    %dot_general3A = arith.constant dense<0.000000e+00> : vector<2000x128xf32>
    %dot_general3A_5 = tpu.matmul %get3A_1, %get3A_4, %dot_general3A {dimension_numbers = #tpu.dot_dimension_numbers<[1], [0], [0], [1], [0, 0, 1, 1], [], []>, transpose_lhs_hint = false} : vector<2000x128xf32>, vector<128x128xf32>, vector<2000x128xf32> -> vector<2000x128xf32>
    %get3A_6 = arith.constant 0 : index
    %get3A_7 = arith.constant 0 : index
    %get3A_8 = vector.load %arg3[%get3A_6, %get3A_7] : memref<1x128xf32, #tpu.memory_space<vmem>>, vector<1x128xf32>
    %add3A = vector.broadcast %get3A_8 : vector<1x128xf32> to vector<2000x128xf32>
    %add3A_9 = arith.addf %dot_general3A_5, %add3A : vector<2000x128xf32>
    %swap3A = arith.constant 0 : index
    %swap3A_10 = arith.constant 0 : index
    %swap3A_11 = vector.load %arg4[%swap3A, %swap3A_10] : memref<2000x128xf32, #tpu.memory_space<vmem>>, vector<2000x128xf32>
    tpu.vector_store %arg4[%swap3A, %swap3A_10], %add3A_9 {strides = array<i32>} : memref<2000x128xf32, #tpu.memory_space<vmem>>, vector<2000x128xf32>,
    return
  }
  func.func @transform_0(%arg0: i32) -> (i32, i32) {
    %c0_i32 = arith.constant 0 : i32
    %c0_i32_0 = arith.constant 0 : i32
    return %arg0, %c0_i32 : i32, i32
  }
  func.func @transform_1(%arg0: i32) -> (i32, i32) {
    %c0_i32 = arith.constant 0 : i32
    %c0_i32_0 = arith.constant 0 : i32
    %c0_i32_1 = arith.constant 0 : i32
    return %c0_i32, %c0_i32_0 : i32, i32
  }
  func.func @transform_2(%arg0: i32) -> (i32, i32) {
    %c0_i32 = arith.constant 0 : i32
    %c0_i32_0 = arith.constant 0 : i32
    %c0_i32_1 = arith.constant 0 : i32
    return %c0_i32, %c0_i32_0 : i32, i32
  }
  func.func @transform_3(%arg0: i32) -> (i32, i32) {
    %c0_i32 = arith.constant 0 : i32
    %c0_i32_0 = arith.constant 0 : i32
    return %arg0, %c0_i32 : i32, i32
  }
}

module attributes {stable_mosaic.version = 14 : i64} {
  func.func @body(%arg0: i32, %arg1: memref<2000x128xf32, #tpu.memory_space<vmem>>, %arg2: memref<2x2000x128xf32, #tpu.memory_space<vmem>>, %arg3: memref<2x2000x16xf32, #tpu.memory_space<vmem>>, %arg4: memref<128x128xf32, #tpu.memory_space<vmem>>, %arg5: memref<2000x128xf32, #tpu.memory_space<vmem>>) attributes {dimension_semantics = [#tpu.dimension_semantics<arbitrary>], iteration_bounds = array<i64: 5>, scalar_prefetch = 0 : i64, scratch_operands = 0 : i64, tpu.core_type = #tpu.core_type<tc>, window_params = [{transform_indices = @transform_0, window_bounds = array<i64: 2000, 128>}, {transform_indices = @transform_1, window_bounds = array<i64: 2, 2000, 128>}, {transform_indices = @transform_2, window_bounds = array<i64: 2, 2000, 16>}, {pipeline_mode = #tpu.pipeline_mode<synchronous>, transform_indices = @transform_3, window_bounds = array<i64: 128, 128>}, {transform_indices = @transform_4, window_bounds = array<i64: 2000, 128>}]} {
    %get3A = arith.constant 0 : index
    %get3A_0 = arith.constant 0 : index
    %get3A_1 = arith.constant 0 : index
    %get3A_2 = vector.load %arg2[%get3A, %get3A_0, %get3A_1] : memref<2x2000x128xf32, #tpu.memory_space<vmem>>, vector<1x2000x128xf32>
    %get3A_3 = vector.shape_cast %get3A_2 : vector<1x2000x128xf32> to vector<2000x128xf32>
    %get3A_4 = arith.constant 1 : index
    %get3A_5 = arith.constant 0 : index
    %get3A_6 = arith.constant 0 : index
    %get3A_7 = vector.load %arg2[%get3A_4, %get3A_5, %get3A_6] : memref<2x2000x128xf32, #tpu.memory_space<vmem>>, vector<1x2000x128xf32>
    %get3A_8 = vector.shape_cast %get3A_7 : vector<1x2000x128xf32> to vector<2000x128xf32>
    %add3A = arith.addf %get3A_3, %get3A_8 : vector<2000x128xf32>
    %get3A_9 = arith.constant 0 : index
    %get3A_10 = arith.constant 0 : index
    %get3A_11 = arith.constant 0 : index
    %get3A_12 = vector.load %arg3[%get3A_9, %get3A_10, %get3A_11] : memref<2x2000x16xf32, #tpu.memory_space<vmem>>, vector<1x2000x1xf32>
    %get3A_13 = vector.shape_cast %get3A_12 : vector<1x2000x1xf32> to vector<2000x1xf32>
    %get3A_14 = arith.constant 1 : index
    %get3A_15 = arith.constant 0 : index
    %get3A_16 = arith.constant 0 : index
    %get3A_17 = vector.load %arg3[%get3A_14, %get3A_15, %get3A_16] : memref<2x2000x16xf32, #tpu.memory_space<vmem>>, vector<1x2000x1xf32>
    %get3A_18 = vector.shape_cast %get3A_17 : vector<1x2000x1xf32> to vector<2000x1xf32>
    %add3A_19 = arith.addf %get3A_13, %get3A_18 : vector<2000x1xf32>
    %max3A = arith.constant 1.000000e+00 : f32
    %max3A_20 = vector.broadcast %max3A : f32 to vector<2000x1xf32>
    %max3A_21 = arith.maximumf %add3A_19, %max3A_20 : vector<2000x1xf32>
    %div3A = vector.broadcast %max3A_21 : vector<2000x1xf32> to vector<2000x128xf32>
    %div3A_22 = arith.divf %add3A, %div3A : vector<2000x128xf32>
    %get3A_23 = arith.constant 0 : index
    %get3A_24 = arith.constant 0 : index
    %get3A_25 = vector.load %arg1[%get3A_23, %get3A_24] : memref<2000x128xf32, #tpu.memory_space<vmem>>, vector<2000x128xf32>
    %get3A_26 = arith.constant 0 : index
    %get3A_27 = arith.constant 0 : index
    %get3A_28 = vector.load %arg4[%get3A_26, %get3A_27] : memref<128x128xf32, #tpu.memory_space<vmem>>, vector<128x128xf32>
    %dot_general3A = arith.constant dense<0.000000e+00> : vector<2000x128xf32>
    %dot_general3A_29 = tpu.matmul %div3A_22, %get3A_28, %dot_general3A {dimension_numbers = #tpu.dot_dimension_numbers<[1], [0], [0], [1], [0, 0, 1, 1], [], []>, transpose_lhs_hint = false} : vector<2000x128xf32>, vector<128x128xf32>, vector<2000x128xf32> -> vector<2000x128xf32>
    %add3A_30 = arith.addf %get3A_25, %dot_general3A_29 : vector<2000x128xf32>
    %swap3A = arith.constant 0 : index
    %swap3A_31 = arith.constant 0 : index
    %swap3A_32 = vector.load %arg5[%swap3A, %swap3A_31] : memref<2000x128xf32, #tpu.memory_space<vmem>>, vector<2000x128xf32>
    tpu.vector_store %arg5[%swap3A, %swap3A_31], %add3A_30 {strides = array<i32>} : memref<2000x128xf32, #tpu.memory_space<vmem>>, vector<2000x128xf32>,
    return
  }
  func.func @transform_0(%arg0: i32) -> (i32, i32) {
    %c0_i32 = arith.constant 0 : i32
    %c0_i32_0 = arith.constant 0 : i32
    return %arg0, %c0_i32 : i32, i32
  }
  func.func @transform_1(%arg0: i32) -> (i32, i32, i32) {
    %c0_i32 = arith.constant 0 : i32
    %c0_i32_0 = arith.constant 0 : i32
    %c0_i32_1 = arith.constant 0 : i32
    return %c0_i32, %arg0, %c0_i32_0 : i32, i32, i32
  }
  func.func @transform_2(%arg0: i32) -> (i32, i32, i32) {
    %c0_i32 = arith.constant 0 : i32
    %c0_i32_0 = arith.constant 0 : i32
    %c0_i32_1 = arith.constant 0 : i32
    return %c0_i32, %arg0, %c0_i32_0 : i32, i32, i32
  }
  func.func @transform_3(%arg0: i32) -> (i32, i32) {
    %c0_i32 = arith.constant 0 : i32
    %c0_i32_0 = arith.constant 0 : i32
    %c0_i32_1 = arith.constant 0 : i32
    return %c0_i32, %c0_i32_0 : i32, i32
  }
  func.func @transform_4(%arg0: i32) -> (i32, i32) {
    %c0_i32 = arith.constant 0 : i32
    %c0_i32_0 = arith.constant 0 : i32
    return %arg0, %c0_i32 : i32, i32
  }
}

</mosaic_0001>

<sc_bundles>
// kernel: kernel.5.cloned.1.call-start
scs
__scs_entry_jumppad:
0x0: {  	(pc) =	sbr.rel $0x88, $3  }
0x1: {  	(tag) =	ssettag $0x0;
	lr =	simm.s32 $0x1  }
0x2: {  	[smem:$0x3F9C] =	sst lr;
	_ =	strace $0xD0000000  }
0x3: {  	_ = 	snop  }
0x4: {  	_ = 	snop  }
0x5: {  	_ = 	snop  }
0x6: {  	_ = 	snop  }
0x7: {  	_ = 	snop  }
__scs_overlays_trampoline_lowered:
0x8: {  	[smem:$0x3FAB] =	sst s0  }
0x9: {  	[smem:$0x3FAC] =	sst s1  }
0xa: {  	[smem:$0x3FAD] =	sst s2  }
0xb: {  	[smem:$0x3FAE] =	sst s3  }
0xc: {  	[smem:$0x3FAF] =	sst s4  }
0xd: {  	[smem:$0x3FB0] =	sst s5  }
0xe: {  	[smem:$0x3FB1] =	sst s6  }
0xf: {  	[smem:$0x3FB2] =	sst s7  }
0x10: {  	[smem:$0x3FB3] =	sst s8  }
0x11: {  	[smem:$0x3FB4] =	sst s9;
	s0 =	simm.s32 @!p0 $0x0  }
0x12: {  	s1 =	sld [smem:$0x3F9A];
	s0 =	simm.s32 @p0 $0x1  }
0x13: {  	[smem:$0x3FB5] =	sst s0;
	s0 =	simm.s32 @!p1 $0x0  }
0x14: {  	s2 =	sld [smem:$0x3F99];
	s0 =	simm.s32 @p1 $0x1  }
0x15: {  	[smem:$0x3FB6] =	sst s0;
	s0 =	simm.s32 @!p2 $0x0  }
0x16: {  	s3 =	sld [smem:$0x3FDB];
	s0 =	simm.s32 @p2 $0x1  }
0x17: {  	s4 =	simm.s32 $0x1BF5;
	[smem:$0x3FB8] =	sst s0  }
0x18: {  	s0 =	sld [smem:$0x3F9B];
	_ =	swait.ge [sflag:s4], $0x0  }
0x19: {  	s7 =	sld [smem:$0x3F9C]  }
0x1a: {  	s8 =	sadd.s32 $0xFFFFE003, lr  }
0x1b: {  	s9 =	sadd.s32 $0xFFFFFEF7, lr;
	s5 =	simm.s32 $0xFFFFFFFF;
	p2 =	slt.u32 s8, $0xFFFFF086  }
0x1c: {  	p1 =	slt.u32 s9, $0xF7A;
	s5 =	simm.s32 @!p2 $0x0  }
0x1d: {  	s5 =	simm.s32 @p1 $0x1;
	p0 =	seq.s32 s7, s2  }
0x1e: {  	s7 =	smul.u32 @!p0 $0xF7A, s2;
	p2 =	seq.s32 @!p0 s5, $0x0  }
0x1f: {  	s9 =	smul.u32 $0xF7A, s1;
	s8 =	simm.s32 @!p0 $0x1BF5;
	p2 =	por !p2, p0  }
0x20: {  	[sflag:s8] =	ssyncset.s32 @!p0 $0xFFFFF086;
	s6 =	sadd.s32 @!p0 s3, s7;
	s7 =	simm.s32 @!p0 $0x108  }
0x21: {  	s3 =	sadd.s32 s3, s9;
	s6 =	sadd.s32 @!p0 $0x88, s6;
	s7 =	simm.s32 @p2 $0x1082  }
0x22: {  	[simem:s7], [sflag:s8] =	dma.local @!p0 [hbm:s6], $0xF7A  }
0x23: {  	s9 =	sor.u32 $0xD0000000, s2;
	s6 =	simm.s32 $0x108;
	_ =	swait.ge @!p0 [sflag:s8], $0x0  }
0x24: {  	s3 =	sadd.s32 $0x88, s3;
	s6 =	simm.s32 @!p1 $0x1082;
	[sflag:s4] =	ssyncset.s32 $0xFFFFF086  }
0x25: {  	[simem:s6], [sflag:s4] =	dma.local [hbm:s3], $0xF7A  }
0x26: {  	[smem:$0x3F9C] =	sst s1;
	(tag) =	ssettag s2;
	_ =	strace s9  }
0x27: {  	s1 =	sld [smem:$0x3FAC]  }
0x28: {  	s2 =	sld [smem:$0x3FAD]  }
0x29: {  	s4 =	sld [smem:$0x3FAF]  }
0x2a: {  	p0 =	seq.s32 s5, $0x0;
	s5 =	sld [smem:$0x3FB0]  }
0x2b: {  	s6 =	sld [smem:$0x3FB1]  }
0x2c: {  	s7 =	sld [smem:$0x3FB2]  }
0x2d: {  	s3 =	simm.s32 $0x108;
	s8 =	sld [smem:$0x3FB3]  }
0x2e: {  	s3 =	simm.s32 @!p0 $0x1082;
	s9 =	sld [smem:$0x3FB4]  }
0x2f: {  	lr =	sadd.s32 s0, s3;
	s0 =	sld [smem:$0x3FAB]  }
0x30: {  	s3 =	sld [smem:$0x3FAE]  }
0x31: {  	[smem:$0x3FB7] =	sst s10  }
0x32: {  	s10 =	sld [smem:$0x3FB5];
	_ =	sdelay $0x3  }
0x33: {  	p0 =	seq.s32 s10, $0x1;
	s10 =	sld [smem:$0x3FB7];
	_ =	sdelay $0x3  }
0x34: {  	[smem:$0x3FB7] =	sst s10  }
0x35: {  	s10 =	sld [smem:$0x3FB6];
	_ =	sdelay $0x3  }
0x36: {  	p1 =	seq.s32 s10, $0x1;
	s10 =	sld [smem:$0x3FB7];
	_ =	sdelay $0x3  }
0x37: {  	[smem:$0x3FB7] =	sst s10  }
0x38: {  	s10 =	sld [smem:$0x3FB8]  }
0x39: {  	_ = 	snop;
	(pc) =	sbr.ind lr, $3  }
0x3a: {  	_ = 	snop  }
0x3b: {  	_ = 	snop  }
0x3c: {  	p2 =	seq.s32 s10, $0x1;
	s10 =	sld [smem:$0x3FB7]  }
0x3d: {  	_ =	shalt  }
0x3e: {  	_ =	shalt  }
0x3f: {  	_ =	shalt  }
0x40: {  	_ =	shalt  }
0x41: {  	_ =	shalt  }
0x42: {  	_ =	shalt  }
0x43: {  	_ =	shalt  }
0x44: {  	_ =	shalt  }
0x45: {  	_ =	shalt  }
0x46: {  	_ =	shalt  }
0x47: {  	_ =	shalt  }
0x48: {  	_ =	shalt  }
0x49: {  	_ =	shalt  }
0x4a: {  	_ =	shalt  }
0x4b: {  	_ =	shalt  }
0x4c: {  	_ =	shalt  }
0x4d: {  	_ =	shalt  }
0x4e: {  	_ =	shalt  }
0x4f: {  	_ =	shalt  }
0x50: {  	_ =	shalt  }
0x51: {  	_ =	shalt  }
0x52: {  	_ =	shalt  }
0x53: {  	_ =	shalt  }
0x54: {  	_ =	shalt  }
0x55: {  	_ =	shalt  }
0x56: {  	_ =	shalt  }
0x57: {  	_ =	shalt  }
0x58: {  	_ =	shalt  }
0x59: {  	_ =	shalt  }
0x5a: {  	_ =	shalt  }
0x5b: {  	_ =	shalt  }
0x5c: {  	_ =	shalt  }
0x5d: {  	_ =	shalt  }
0x5e: {  	_ =	shalt  }
0x5f: {  	_ =	shalt  }
0x60: {  	_ =	shalt  }
0x61: {  	_ =	shalt  }
0x62: {  	_ =	shalt  }
0x63: {  	_ =	shalt  }
0x64: {  	_ =	shalt  }
0x65: {  	_ =	shalt  }
0x66: {  	_ =	shalt  }
0x67: {  	_ =	shalt  }
0x68: {  	_ =	shalt  }
0x69: {  	_ =	shalt  }
0x6a: {  	_ =	shalt  }
0x6b: {  	_ =	shalt  }
0x6c: {  	_ =	shalt  }
0x6d: {  	_ =	shalt  }
0x6e: {  	_ =	shalt  }
0x6f: {  	_ =	shalt  }
0x70: {  	_ =	shalt  }
0x71: {  	_ =	shalt  }
0x72: {  	_ =	shalt  }
0x73: {  	_ =	shalt  }
0x74: {  	_ =	shalt  }
0x75: {  	_ =	shalt  }
0x76: {  	_ =	shalt  }
0x77: {  	_ =	shalt  }
0x78: {  	_ =	shalt  }
0x79: {  	_ =	shalt  }
0x7a: {  	_ =	shalt  }
0x7b: {  	_ =	shalt  }
0x7c: {  	_ =	shalt  }
0x7d: {  	_ =	shalt  }
0x7e: {  	_ =	shalt  }
0x7f: {  	_ =	shalt  }
0x80: {  	_ =	shalt  }
0x81: {  	_ =	shalt  }
0x82: {  	_ =	shalt  }
0x83: {  	_ =	shalt  }
0x84: {  	_ =	shalt  }
0x85: {  	_ =	shalt  }
0x86: {  	_ =	shalt  }
0x87: {  	_ =	shalt  }
.Lfunc_end0:
.L_simem_size_0:
called_computation_lowered:
.L_overlay_start_0:
0x88: {  	s2 =	sld [smem:$0x3FD9]  }
0x89: {  	s3 =	sld [smem:$0x3FFE];
	_ =	sdelay $0x1  }
0x8a: {  	s1 =	srdreg.scid  }
0x8b: {  	s0 =	sand.u32 $0x1, s1  }
0x8c: {  	s17 =	sshll.u32 s0, $0xA;
	s2 =	sadd.s32 s3, s2  }
0x8d: {  	s2 =	sadd.s32 s2, s17  }
0x8e: {  	[smem:$0x3FC3] =	sst s2  }
0x8f: {  	_ = 	snop  }
0x90: {  	s2 =	sld [smem:$0x3FC9]  }
0x91: {  	s18 =	sld [smem:$0x3FD0];
	(tm) =	ssettm $0x1  }
0x92: {  	s4 =	sld [smem:$0x3FFB];
	_ =	sdelay $0x3  }
0x93: {  	_ =	strace s4  }
0x94: {  	s4 =	sld [smem:$0x3FFC];
	_ =	sdelay $0x3  }
0x95: {  	_ =	strace s4  }
0x96: {  	s4 =	sld [smem:$0x3FFD];
	_ =	sdelay $0x3  }
0x97: {  	_ =	strace s4  }
0x98: {  	_ =	strace $0x8FFFFFFF  }
0x99: {  	s19 =	sld [smem:$0x3FDB];
	_ =	sdelay $0x1  }
0x9a: {  	s5 =	simm.s32 $_scs_section_size  }
0x9b: {  	s6 =	simm.s32 $_size__tile_overlayer_lowered;
	s7 =	simm.s32 $_tile_overlayer_lowered  }
0x9c: {  	s22 =	simm.s32 $0x1BFF;
	s21 =	sshll.u32 s7, $0x1;
	s4 =	sadd.s32 s5, s19  }
0x9d: {  	s8 =	simm.s32 $0x0;
	s20 =	sshll.u32 s6, $0x1;
	s6 =	sadd.s32 s21, s4  }
0x9e: {  	[timem:s8], [sflag:s22] =	dma.local [hbm:s6], s20  }
0x9f: {  	_ =	swait.ge [sflag:s22], s20  }
0xa0: {  	s5 =	ssub.s32 $0x0, s20;
	[sflag:s22] =	ssyncset.done $0x0  }
0xa1: {  	[sflag:s22] =	ssyncadd.s32 s5;
	_ =	sdelay $0x1  }
0xa2: {  	s23 =	simm.s32 $0x1B8B  }
0xa3: {  	_ =	swait.ge [sflag:s23], $0x1  }
0xa4: {  	[sflag:s23] =	ssyncset.done $0x0  }
0xa5: {  	s25 =	simm.s32 $0x1B8E;
	s24 =	sld [smem:$0x3FFE];
	[sflag:s23] =	ssyncadd.s32 $0xFFFFFFFF  }
0xa6: {  	s26 =	simm.s32 $execute0_lowered;
	[smem:$0x3FD2] =	sst s25  }
0xa7: {  	s6 =	sshll.u32 s26, $0x1;
	_ =	strace $0x80000046;
	[dreg:$0x1] =	wrdreg $0xFFFFFFFF  }
0xa8: {  	s28 =	simm.s32 $_size_execute0_lowered;
	s4 =	sadd.s32 s4, s6;
	[dreg:$0x0] =	wrdreg $0x0  }
0xa9: {  	s6 =	sshll.u32 s28, $0x1;
	[dreg:$0x2] =	wrdreg s4  }
0xaa: {  	[dreg:$0x3] =	wrdreg s6  }
0xab: {  	[dreg:$0x4] =	wrdreg $0xC0  }
0xac: {  	_ =	task [dreg:s8], $0x5FFFF  }
0xad: {  	[dreg:$0x1] =	wrdreg $0xFFFFFFFF  }
0xae: {  	[dreg:$0x0] =	wrdreg $0x60  }
0xaf: {  	[dreg:$0x2] =	wrdreg s2  }
0xb0: {  	[dreg:$0x3] =	wrdreg s18  }
0xb1: {  	[dreg:$0x4] =	wrdreg s24  }
0xb2: {  	[dreg:$0x5] =	wrdreg $0x84300  }
0xb3: {  	[dreg:$0x6] =	wrdreg $0x1BCB00  }
0xb4: {  	[dreg:$0x7] =	wrdreg $0x9  }
0xb5: {  	_ =	task.clear_ibuf [dreg:s8], $0x8FFFF;
	_ =	strace $0x90000046  }
0xb6: {  	s29 =	simm.s32 $0x9;
	_ =	strace $0x80000048  }
0xb7: {  	_ =	swait.ge [sflag:s29], $0x1  }
0xb8: {  	[sflag:s29] =	ssyncadd.s32 $0xFFFFFFFF  }
0xb9: {  	_ =	strace $0x90000048  }
0xba: {  	_ =	sfence  }
0xbb: {  	s30 =	sld [smem:$0x0];
	_ =	sdelay $0x2  }
0xbc: {  	s31 =	sshll.u32 s1, $0xD;
	s1 =	sshrl.u32 s1, $0x2  }
0xbd: {  	s3 =	sand.u32 $0x4000, s31;
	s1 =	sadd.s32 s1, s30  }
0xbe: {  	s0 =	sor.u32 s3, s0;
	s1 =	sshll.u32 s1, $0x11  }
0xbf: {  	s0 =	sor.u32 s1, s0  }
0xc0: {  	s0 =	sadd.s32 $0x8F2B, s0  }
0xc1: {  	[sflag:s0] =	ssyncadd.remote.s32 $0x1  }
0xc2: {  	_ =	sfence.sel $0xFFFF  }
0xc3: {  	[dreg:$0x0] =	wrdreg $0xFFFFFFFF;
	(pc) =	sbr.abs _section_cstart, $3  }
0xc4: {  	[dreg:$0x1] =	wrdreg $0xFFFFFFFF  }
0xc5: {  	_ =	task.clear_ibuf [dreg:s8], $0x2FFFF;
	_ =	strace $0x9FFFFFFF  }
0xc6: {  	(tm) =	ssettm $0x7FFFFFFF  }
0xc7: {  	_ =	shalt  }
tec
execute0_lowered:
.L_overlay_start_1:
0x0: {  	(tag) =	ssettag $0x1  }
0x1: {  	s0 =	rddreg [dreg:$0x0]  }
0x2: {  	s1 =	rddreg [dreg:$0x2]  }
0x3: {  	s2 =	srdreg.scid;
	s4 =	rddreg [dreg:$0x3]  }
0x4: {  	s14 =	stileid.u32;
	s5 =	rddreg [dreg:$0x4]  }
0x5: {  	s16 =	simm.s32 $0x0;
	s28 =	simm.s32 $0x28;
	s6 =	smul.u32 $0x2710, s14  }
0x6: {  	s29 =	simm.s32 $0xFA0;
	s30 =	simm.s32 $0x23A0;
	s11 =	smul.u32 $0x13880, s14  }
0x7: {  	s2 =	sand.u32 $0x1, s2;
	[smem:$0x7FF] =	sst s16;
	s13 =	smul.u32 $0x9C40, s14  }
0x8: {  	s8 =	sadd.s32 $0xB600, s1;
	s3 =	smul.u32 $0x27100, s2;
	_ =	strace $0x80000047  }
0x9: {  	s7 =	ssub.s32 $0x2, s2;
	s9 =	sshll.u32 s2, $0x4;
	s2 =	smul.u32 $0x138800, s2  }
0xa: {  	s10 =	sshrl.u32 s7, $0x1;
	s9 =	sor.u32 s14, s9;
	s21 =	sadd.s32 $0x3E80, s11  }
0xb: {  	s23 =	sadd.s32 $0x7D00, s11;
	s24 =	sadd.s32 s11, s4;
	s14 =	smul.u32 $0x4E200, s14  }
0xc: {  	s3 =	sadd.s32 s6, s3;
	s17 =	ssub.s32 s7, s10;
	s18 =	smul.u32 $0x2710, s9  }
0xd: {  	s19 =	sadd.s32 s2, s11;
	s22 =	sadd.s32 s2, s21;
	s12 =	sadd.s32 s2, s23  }
0xe: {  	s25 =	sadd.s32 s21, s4;
	s31 =	sadd.s32 s23, s4;
	s23 =	sshrl.u32 s24, $0x3  }
0xf: {  	s10 =	simm.s32 $0x73A0;
	s3 =	sshrl.u32 s3, $0x3;
	s20 =	sshrl.u32 s19, $0x3  }
0x10: {  	s26 =	sshrl.u32 s12, $0x3;
	s21 =	sshrl.u32 s14, $0x2;
	[dreg:$0x10] =	wrdreg s23  }
0x11: {  	s24 =	sshrl.u32 s25, $0x3;
	s25 =	sshrl.u32 s31, $0x3;
	s14 =	simm.s32 $0x6  }
0x12: {  	s23 =	simm.s32 $0x8;
	s1 =	sadd.s32 s3, s1;
	[dreg:$0x7] =	wrdreg s18  }
0x13: {  	s3 =	smax.u32 s17, $0x1;
	s17 =	sadd.s32 $0xBB80, s11;
	[dreg:$0x11] =	wrdreg s24  }
0x14: {  	s11 =	sadd.s32 $0xFA00, s11;
	[dreg:$0x12] =	wrdreg s25;
	s24 =	simm.s32 $0x5  }
0x15: {  	s25 =	simm.s32 $0x9;
	s1 =	sadd.s32 $0x1800, s1;
	[dreg:$0x9] =	wrdreg s3  }
0x16: {  	s3 =	sadd.s32 s8, s20;
	s18 =	sadd.s32 s2, s17;
	s2 =	sadd.s32 s2, s11  }
0x17: {  	s9 =	sadd.s32 s17, s4;
	s20 =	sshrl.u32 s13, $0x2;
	s11 =	sadd.s32 s11, s4  }
0x18: {  	s17 =	simm.s32 $0x7620;
	s13 =	simm.s32 $0x2;
	[dreg:$0x8] =	wrdreg s1  }
0x19: {  	s1 =	sadd.s32 s6, s5;
	[dreg:$0xa] =	wrdreg s3;
	s3 =	sshrl.u32 s22, $0x3  }
0x1a: {  	s6 =	sadd.s32 s8, s26;
	s12 =	sshrl.u32 s18, $0x3;
	s2 =	sshrl.u32 s2, $0x3  }
0x1b: {  	s15 =	sadd.s32 s20, s5;
	s22 =	sadd.s32 s21, s4;
	s18 =	simm.s32 $0x82A0  }
0x1c: {  	s26 =	sshrl.u32 s9, $0x3;
	s31 =	sshrl.u32 s11, $0x3;
	[dreg:$0xc] =	wrdreg s6  }
0x1d: {  	s9 =	simm.s32 $0x1;
	s11 =	simm.s32 $0xB;
	[dreg:$0xf] =	wrdreg s22  }
0x1e: {  	s20 =	simm.s32 $0x3;
	s21 =	simm.s32 $0x7;
	[dreg:$0x13] =	wrdreg s26  }
.Ltmp0:
0x1f: {  	s3 =	sadd.s32 s8, s3;
	[dreg:$0x14] =	wrdreg s31;
	(pc) =	sbr.rel .LBB2_1-.Ltmp0, $4  }
0x20: {  	s19 =	sadd.s32 s8, s12;
	s2 =	sadd.s32 s8, s2;
	[dreg:$0xb] =	wrdreg s3  }
0x21: {  	s1 =	sshrl.u32 s1, $0x3;
	s8 =	simm.s32 $0x4BA0;
	[dreg:$0xd] =	wrdreg s19  }
0x22: {  	s12 =	simm.s32 $0x5FA0;
	s22 =	simm.s32 $0x4;
	[dreg:$0xe] =	wrdreg s2  }
0x23: {  	v0 =	vimm.f32 $0.0e+00;
	v1 =	vimm.f32 $1.000000000e+00;
	s19 =	simm.s32 $0xC;
	[dreg:$0x15] =	wrdreg s1;
	s3 =	simm.s32 $0x37A0  }
.LBB2_12:
0x24: {  	s1 =	stileid.u32;
	[bflag:$0x0] =	sbarrier.arrive $0xFFFF  }
0x25: {  	s1 =	sshll.u32 s1, $0x6;
	s2 =	rddreg [dreg:$0xa]  }
0x26: {  	s6 =	rddreg [dreg:$0x10];
	s1 =	sor.u32 $0x1C0C, s1  }
0x27: {  	[hbm:s2], [sflag:s1] =	dma.local [spmem:s6], $0x7D0  }
0x28: {  	s2 =	rddreg [dreg:$0xb]  }
0x29: {  	s6 =	rddreg [dreg:$0x11]  }
0x2a: {  	[hbm:s2], [sflag:s1] =	dma.local [spmem:s6], $0x7D0  }
0x2b: {  	s2 =	rddreg [dreg:$0xc]  }
0x2c: {  	s6 =	rddreg [dreg:$0x12]  }
0x2d: {  	[hbm:s2], [sflag:s1] =	dma.local [spmem:s6], $0x7D0  }
0x2e: {  	s2 =	rddreg [dreg:$0xd]  }
0x2f: {  	s6 =	rddreg [dreg:$0x13]  }
0x30: {  	[hbm:s2], [sflag:s1] =	dma.local [spmem:s6], $0x7D0  }
0x31: {  	s2 =	rddreg [dreg:$0xe]  }
0x32: {  	s6 =	rddreg [dreg:$0x14]  }
0x33: {  	[hbm:s2], [sflag:s1] =	dma.local [spmem:s6], $0x7D0  }
0x34: {  	s2 =	rddreg [dreg:$0x8]  }
0x35: {  	s6 =	rddreg [dreg:$0x15]  }
0x36: {  	[hbm:s2], [sflag:s1] =	dma.local [spmem:s6], $0x4E2  }
0x37: {  	_ =	swait.ge [sflag:s19], $0x7D0  }
0x38: {  	[sflag:s19] =	ssyncset.done $0x0  }
0x39: {  	[sflag:s19] =	ssyncadd.s32 $0xFFFFF830  }
0x3a: {  	_ =	swait.ge [sflag:s19], $0x7D0  }
0x3b: {  	[sflag:s19] =	ssyncset.done $0x0  }
0x3c: {  	[sflag:s19] =	ssyncadd.s32 $0xFFFFF830  }
0x3d: {  	_ =	swait.ge [sflag:s19], $0x7D0  }
0x3e: {  	[sflag:s19] =	ssyncset.done $0x0  }
0x3f: {  	[sflag:s19] =	ssyncadd.s32 $0xFFFFF830  }
0x40: {  	_ =	swait.ge [sflag:s19], $0x7D0  }
0x41: {  	[sflag:s19] =	ssyncset.done $0x0  }
0x42: {  	[sflag:s19] =	ssyncadd.s32 $0xFFFFF830  }
0x43: {  	_ =	swait.ge [sflag:s19], $0x7D0  }
0x44: {  	[sflag:s19] =	ssyncset.done $0x0  }
0x45: {  	[sflag:s19] =	ssyncadd.s32 $0xFFFFF830  }
0x46: {  	_ =	swait.ge [sflag:s19], $0x4E2  }
0x47: {  	s16 =	rddreg [dreg:$0x6]  }
0x48: {  	s31 =	rddreg [dreg:$0x9];
	s16 =	sadd.s32 $0x1, s16  }
0x49: {  	p0 =	sne.s32 s16, s31  }
.Ltmp1:
0x4a: {  	_ = 	snop;
	(pc) =	sbr.rel @!p0 .LBB2_13-.Ltmp1, $3  }
0x4b: {  	_ =	sdelay $0x1  }
0x4c: {  	[sflag:s19] =	ssyncset.done $0x0  }
0x4d: {  	[sflag:s19] =	ssyncadd.s32 $0xFFFFFB1E  }
.LBB2_1:
0x4e: {  	s1 =	simm.s32 $0x7660  }
0x4f: {  	[tilespmem:s1+$0xFFFFFFD0] =	vst v0  }
0x50: {  	[tilespmem:s1+$0xFFFFFFE0] =	vst v0  }
0x51: {  	[tilespmem:s1+$0xFFFFFFF0] =	vst v0  }
0x52: {  	[tilespmem:s1+$0x0] =	vst v0  }
0x53: {  	[tilespmem:s1+$0x10] =	vst v0  }
0x54: {  	[tilespmem:s1+$0x20] =	vst v0  }
0x55: {  	[tilespmem:s1+$0x30] =	vst v0  }
0x56: {  	s26 =	simm.s32 $0x0;
	s6 =	simm.s32 $0x40;
	[tilespmem:s1+$0xFFFFFFC0] =	vst v0  }
.LBB2_2:
0x57: {  	p0 =	sne.s32 s6, $0x600;
	[tilespmem:s26+$0x82A0] =	vst v0;
	s1 =	sadd.s32 $0x80, s1  }
0x58: {  	[tilespmem:s1+$0xFFFFFFD0] =	vst v0  }
0x59: {  	[tilespmem:s1+$0xFFFFFFE0] =	vst v0  }
0x5a: {  	[tilespmem:s1+$0xFFFFFFF0] =	vst v0  }
.Ltmp2:
0x5b: {  	[tilespmem:s1+$0x0] =	vst v0;
	(pc) =	sbr.rel @p0 .LBB2_2-.Ltmp2, $4  }
0x5c: {  	[tilespmem:s1+$0x10] =	vst v0  }
0x5d: {  	[tilespmem:s1+$0x20] =	vst v0  }
0x5e: {  	[tilespmem:s1+$0x30] =	vst v0  }
0x5f: {  	s26 =	sshra.s32 s6, $0x2;
	s6 =	sadd.s32 $0x40, s6;
	[tilespmem:s1+$0xFFFFFFC0] =	vst v0  }
0x60: {  	[tilespmem:s26+$0x82A0] =	vst v0  }
0x61: {  	[tilespmem:$0x73A0] =	vst v1  }
0x62: {  	[tilespmem:$0x73B0] =	vst v1  }
0x63: {  	[tilespmem:$0x73C0] =	vst v1  }
0x64: {  	[tilespmem:$0x73D0] =	vst v1  }
0x65: {  	[tilespmem:$0x73E0] =	vst v1  }
0x66: {  	[tilespmem:$0x73F0] =	vst v1  }
0x67: {  	[tilespmem:$0x7400] =	vst v1  }
0x68: {  	[tilespmem:$0x7410] =	vst v1  }
0x69: {  	[tilespmem:$0x7420] =	vst v1  }
0x6a: {  	[tilespmem:$0x7430] =	vst v1  }
0x6b: {  	[tilespmem:$0x7440] =	vst v1  }
0x6c: {  	[tilespmem:$0x7450] =	vst v1  }
0x6d: {  	[tilespmem:$0x7460] =	vst v1  }
0x6e: {  	[tilespmem:$0x7470] =	vst v1  }
0x6f: {  	[tilespmem:$0x7480] =	vst v1  }
0x70: {  	[tilespmem:$0x7490] =	vst v1  }
0x71: {  	[tilespmem:$0x74A0] =	vst v1  }
0x72: {  	[tilespmem:$0x74B0] =	vst v1  }
0x73: {  	[tilespmem:$0x74C0] =	vst v1  }
0x74: {  	[tilespmem:$0x74D0] =	vst v1  }
0x75: {  	[tilespmem:$0x74E0] =	vst v1  }
0x76: {  	[tilespmem:$0x74F0] =	vst v1  }
0x77: {  	[tilespmem:$0x7500] =	vst v1  }
0x78: {  	[tilespmem:$0x7510] =	vst v1  }
0x79: {  	[tilespmem:$0x7520] =	vst v1  }
0x7a: {  	[tilespmem:$0x7530] =	vst v1  }
0x7b: {  	[tilespmem:$0x7540] =	vst v1  }
0x7c: {  	[tilespmem:$0x7550] =	vst v1  }
0x7d: {  	[tilespmem:$0x7560] =	vst v1  }
0x7e: {  	[tilespmem:$0x7570] =	vst v1  }
0x7f: {  	[tilespmem:$0x7580] =	vst v1  }
0x80: {  	[tilespmem:$0x7590] =	vst v1  }
0x81: {  	[tilespmem:$0x75A0] =	vst v1  }
0x82: {  	[tilespmem:$0x75B0] =	vst v1  }
0x83: {  	[tilespmem:$0x75C0] =	vst v1  }
0x84: {  	[tilespmem:$0x75D0] =	vst v1  }
0x85: {  	[tilespmem:$0x75E0] =	vst v1  }
0x86: {  	[tilespmem:$0x75F0] =	vst v1  }
0x87: {  	s2 =	rddreg [dreg:$0xf];
	[tilespmem:$0x7600] =	vst v1  }
0x88: {  	s1 =	simm.s32 $0x640;
	s26 =	sadd.s32 $0x0, s15;
	[tilespmem:$0x7610] =	vst v1;
	s6 =	sadd.s32 $0xC80, s2  }
0x89: {  	[spmem:s2] =	stream.linear.scatter [tilespmem:s17], [sflag:$0xC], $0xC80, $0x38;
	[tilespmem:$0x1E3C0] =	vst v63  }
.LBB2_4:
0x8a: {  	[spmem:s26] =	stream.linear.scatter [tilespmem:s18], [sflag:$0xC], $0x190, $0x38;
	[tilespmem:$0x1E3C0] =	vst v63  }
0x8b: {  	s26 =	smov.u32 s1;
	p0 =	sne.s32 s1, $0x9600  }
.Ltmp3:
0x8c: {  	s1 =	sadd.s32 $0x640, s1;
	(pc) =	sbr.rel @p0 .LBB2_4-.Ltmp3, $4  }
0x8d: {  	[spmem:s6] =	stream.linear.scatter [tilespmem:s17], [sflag:$0xC], $0xC80, $0x38;
	[tilespmem:$0x1E3C0] =	vst v63  }
0x8e: {  	_ = 	snop  }
0x8f: {  	s26 =	sshra.s32 s26, $0x2  }
0x90: {  	s26 =	sadd.s32 s26, s15;
	s6 =	sadd.s32 $0xC80, s6  }
0x91: {  	[dreg:$0x6] =	wrdreg s16  }
0x92: {  	[spmem:s26] =	stream.linear.scatter [tilespmem:s18], [sflag:$0xC], $0x190, $0x38;
	[tilespmem:$0x1E3C0] =	vst v63  }
0x93: {  	_ =	swait.ge [sflag:s19], $0xC80  }
0x94: {  	[sflag:s19] =	ssyncset.done $0x0  }
0x95: {  	[sflag:s19] =	ssyncadd.s32 $0xFFFFF380  }
0x96: {  	_ =	swait.ge [sflag:s19], $0x190  }
0x97: {  	s1 =	simm.s32 $0x18;
	[sflag:s19] =	ssyncset.done $0x0  }
.LBB2_6:
0x98: {  	p0 =	sne.s32 s1, $0x1;
	s1 =	sadd.s32 $0xFFFFFFFF, s1;
	[sflag:s19] =	ssyncadd.s32 $0xFFFFFE70  }
.Ltmp4:
0x99: {  	_ =	swait.ge [sflag:s19], $0xC80;
	(pc) =	sbr.rel @p0 .LBB2_6-.Ltmp4, $4  }
0x9a: {  	[sflag:s19] =	ssyncset.done $0x0  }
0x9b: {  	[sflag:s19] =	ssyncadd.s32 $0xFFFFF380  }
0x9c: {  	_ =	swait.ge [sflag:s19], $0x190  }
0x9d: {  	[sflag:s19] =	ssyncset.done $0x0  }
.Ltmp5:
0x9e: {  	(pc) =	sbr.rel .LBB2_8-.Ltmp5, $4  }
0x9f: {  	_ = 	snop  }
0xa0: {  	[sflag:s19] =	ssyncadd.s32 $0xFFFFFE70  }
0xa1: {  	[bflag:$0x0] =	sbarrier.arrive $0xFFFF  }
0xa2: {  	s1 =	simm.s32 $0x0  }
.LBB2_11:
0xa3: {  	s1 =	sadd.s32 $0x1, s1  }
0xa4: {  	p0 =	sne.s32 s1, $0x5  }
.Ltmp6:
0xa5: {  	_ = 	snop;
	(pc) =	sbr.rel @!p0 .LBB2_12-.Ltmp6, $4  }
0xa6: {  	s2 =	simm.s32 $0xA  }
0xa7: {  	_ =	swait.ge [sflag:s2], $0x1400  }
0xa8: {  	[sflag:s2] =	ssyncset.done $0x0  }
0xa9: {  	[sflag:s2] =	ssyncadd.s32 $0xFFFFEC00  }
.LBB2_8:
0xaa: {  	s26 =	smul.u32 $0x7D0, s1  }
0xab: {  	s2 =	rddreg [dreg:$0x7]  }
0xac: {  	s26 =	sadd.s32 s2, s26  }
0xad: {  	s7 =	rddreg [dreg:$0x1];
	s26 =	sshrl.u32 s26, $0x3  }
0xae: {  	s6 =	simm.s32 $0x0;
	s26 =	sadd.s32 s7, s26  }
0xaf: {  	[tilespmem:s6], [sflag:$0xC] =	stream.linear.gather [hbm4b:s26+s6], $0x7D0, $0x38;
	[tilespmem:$0x1E3C0] =	vst v63  }
0xb0: {  	s16 =	simm.s32 $0x7D0;
	s26 =	sadd.s32 $0x9C40, s26  }
0xb1: {  	[tilespmem:s16], [sflag:$0xC] =	stream.linear.gather [hbm4b:s26+s6], $0x7D0, $0x38;
	[tilespmem:$0x1E3C0] =	vst v63  }
0xb2: {  	_ =	swait.ge [sflag:s19], $0x7D0  }
0xb3: {  	[sflag:s19] =	ssyncset.done $0x0  }
0xb4: {  	[sflag:s19] =	ssyncadd.s32 $0xFFFFF830  }
0xb5: {  	_ =	swait.ge [sflag:s19], $0x7D0  }
0xb6: {  	[sflag:s19] =	ssyncset.done $0x0  }
0xb7: {  	[sflag:s19] =	ssyncadd.s32 $0xFFFFF830  }
0xb8: {  	[tilespmem:s29], [sflag:$0x1] =	stream.indirect.gather [hbm4b:s0+s28], $0x80, s6, s28, $0xb8;
	[tilespmem:$0x1E3C0] =	vst v63  }
0xb9: {  	_ = 	snop  }
0xba: {  	[tilespmem:s30], [sflag:$0x2] =	stream.indirect.gather [hbm4b:s0+s28], $0x80, s28, s28, $0xb8;
	[tilespmem:$0x1E3C0] =	vst v63  }
0xbb: {  	s26 =	simm.s32 $0x50  }
0xbc: {  	[tilespmem:s3], [sflag:$0x3] =	stream.indirect.gather [hbm4b:s0+s28], $0x80, s26, s28, $0xb8;
	[tilespmem:$0x1E3C0] =	vst v63  }
0xbd: {  	s31 =	simm.s32 $0x78;
	s26 =	simm.s32 $0x0  }
0xbe: {  	[tilespmem:s8], [sflag:$0x4] =	stream.indirect.gather [hbm4b:s0+s28], $0x80, s31, s28, $0xb8;
	[tilespmem:$0x1E3C0] =	vst v63  }
.LBB2_9:
0xbf: {  	_ =	swait.ge [sflag:s9], $0x1400  }
0xc0: {  	s31 =	sshra.s32 s26, $0x2;
	[sflag:s9] =	ssyncset.done $0x0  }
0xc1: {  	s2 =	sadd.s32 $0x7D0, s31;
	[sflag:s9] =	ssyncadd.s32 $0xFFFFEC00  }
0xc2: {  	[spmem:s4] =	stream.indirect.scatter.add.f32 [tilespmem:s29], [sflag:$0x6], $0x80, s2, s28, $0xb8;
	[tilespmem:$0x1E3C0] =	vst v63  }
0xc3: {  	p0 =	seq.s32 s26, $0x0  }
0xc4: {  	[spmem:s5] =	stream.indirect.scatter.add.f32 [tilespmem:s10], [sflag:$0xB], $0x10, s2, s28, $0xb8;
	[tilespmem:$0x1E3C0] =	vst v63  }
0xc5: {  	s2 =	simm.s32 @!p0 $0xA  }
0xc6: {  	_ =	swait.ge @!p0 [sflag:s2], $0x1400  }
0xc7: {  	[sflag:s2] =	ssyncset.done @!p0 $0x0  }
0xc8: {  	[sflag:s2] =	ssyncadd.s32 @!p0 $0xFFFFEC00  }
0xc9: {  	_ =	swait.ge [sflag:s11], $0x280  }
0xca: {  	[sflag:s11] =	ssyncset.done $0x0  }
0xcb: {  	s16 =	sadd.s32 $0xA0, s31;
	[sflag:s11] =	ssyncadd.s32 $0xFFFFFD80  }
0xcc: {  	[tilespmem:s12], [sflag:$0x5] =	stream.indirect.gather [hbm4b:s0+s28], $0x80, s16, s28, $0xb8;
	[tilespmem:$0x1E3C0] =	vst v63  }
0xcd: {  	_ =	swait.ge [sflag:s13], $0x1400  }
0xce: {  	[sflag:s13] =	ssyncset.done $0x0  }
0xcf: {  	s6 =	sadd.s32 $0x7F8, s31;
	[sflag:s13] =	ssyncadd.s32 $0xFFFFEC00  }
0xd0: {  	[spmem:s4] =	stream.indirect.scatter.add.f32 [tilespmem:s30], [sflag:$0x7], $0x80, s6, s28, $0xb8;
	[tilespmem:$0x1E3C0] =	vst v63  }
0xd1: {  	_ = 	snop  }
0xd2: {  	[spmem:s5] =	stream.indirect.scatter.add.f32 [tilespmem:s10], [sflag:$0xB], $0x10, s6, s28, $0xb8;
	[tilespmem:$0x1E3C0] =	vst v63  }
0xd3: {  	_ =	swait.ge [sflag:s14], $0x1400  }
0xd4: {  	[sflag:s14] =	ssyncset.done $0x0  }
0xd5: {  	p0 =	seq.s32 s26, $0x1C20;
	[sflag:s14] =	ssyncadd.s32 $0xFFFFEC00  }
0xd6: {  	s2 =	sshra.s32 @!p0 s26, $0x2;
	_ =	swait.ge [sflag:s11], $0x280  }
0xd7: {  	s7 =	sadd.s32 @!p0 $0xC8, s2;
	[sflag:s11] =	ssyncset.done $0x0  }
0xd8: {  	s16 =	simm.s32 @!p0 $0x28;
	s6 =	simm.s32 @!p0 $0xFA0;
	[sflag:s11] =	ssyncadd.s32 $0xFFFFFD80  }
0xd9: {  	[tilespmem:s6], [sflag:$0x1] =	stream.indirect.gather @!p0 [hbm4b:s0+s16], $0x80, s7, s16, $0xb8;
	[tilespmem:$0x1E3C0] =	vst v63  }
0xda: {  	_ =	swait.ge [sflag:s20], $0x1400  }
0xdb: {  	[sflag:s20] =	ssyncset.done $0x0  }
0xdc: {  	s7 =	sadd.s32 $0x820, s31;
	[sflag:s20] =	ssyncadd.s32 $0xFFFFEC00  }
0xdd: {  	[spmem:s4] =	stream.indirect.scatter.add.f32 [tilespmem:s3], [sflag:$0x8], $0x80, s7, s28, $0xb8;
	[tilespmem:$0x1E3C0] =	vst v63  }
0xde: {  	_ = 	snop  }
0xdf: {  	[spmem:s5] =	stream.indirect.scatter.add.f32 [tilespmem:s10], [sflag:$0xB], $0x10, s7, s28, $0xb8;
	[tilespmem:$0x1E3C0] =	vst v63  }
0xe0: {  	_ =	swait.ge [sflag:s21], $0x1400  }
0xe1: {  	[sflag:s21] =	ssyncset.done $0x0  }
0xe2: {  	[sflag:s21] =	ssyncadd.s32 $0xFFFFEC00  }
0xe3: {  	_ =	swait.ge [sflag:s11], $0x280  }
0xe4: {  	[sflag:s11] =	ssyncset.done $0x0  }
0xe5: {  	s6 =	sadd.s32 @!p0 $0xF0, s2;
	s7 =	simm.s32 @!p0 $0x23A0;
	[sflag:s11] =	ssyncadd.s32 $0xFFFFFD80  }
0xe6: {  	[tilespmem:s7], [sflag:$0x2] =	stream.indirect.gather @!p0 [hbm4b:s0+s16], $0x80, s6, s16, $0xb8;
	[tilespmem:$0x1E3C0] =	vst v63  }
0xe7: {  	_ =	swait.ge [sflag:s22], $0x1400  }
0xe8: {  	[sflag:s22] =	ssyncset.done $0x0  }
0xe9: {  	s7 =	sadd.s32 $0x848, s31;
	[sflag:s22] =	ssyncadd.s32 $0xFFFFEC00  }
0xea: {  	[spmem:s4] =	stream.indirect.scatter.add.f32 [tilespmem:s8], [sflag:$0x9], $0x80, s7, s28, $0xb8;
	[tilespmem:$0x1E3C0] =	vst v63  }
0xeb: {  	_ = 	snop  }
0xec: {  	[spmem:s5] =	stream.indirect.scatter.add.f32 [tilespmem:s10], [sflag:$0xB], $0x10, s7, s28, $0xb8;
	[tilespmem:$0x1E3C0] =	vst v63  }
0xed: {  	_ =	swait.ge [sflag:s23], $0x1400  }
0xee: {  	[sflag:s23] =	ssyncset.done $0x0  }
0xef: {  	[sflag:s23] =	ssyncadd.s32 $0xFFFFEC00  }
0xf0: {  	_ =	swait.ge [sflag:s11], $0x280  }
0xf1: {  	[sflag:s11] =	ssyncset.done $0x0  }
0xf2: {  	s2 =	sadd.s32 @!p0 $0x118, s2;
	s6 =	simm.s32 @!p0 $0x37A0;
	[sflag:s11] =	ssyncadd.s32 $0xFFFFFD80  }
0xf3: {  	[tilespmem:s6], [sflag:$0x3] =	stream.indirect.gather @!p0 [hbm4b:s0+s16], $0x80, s2, s16, $0xb8;
	[tilespmem:$0x1E3C0] =	vst v63  }
0xf4: {  	_ =	swait.ge [sflag:s24], $0x1400  }
0xf5: {  	[sflag:s24] =	ssyncset.done $0x0  }
0xf6: {  	s16 =	sadd.s32 $0x870, s31;
	[sflag:s24] =	ssyncadd.s32 $0xFFFFEC00  }
0xf7: {  	[spmem:s4] =	stream.indirect.scatter.add.f32 [tilespmem:s12], [sflag:$0xA], $0x80, s16, s28, $0xb8;
	[tilespmem:$0x1E3C0] =	vst v63  }
0xf8: {  	_ = 	snop  }
0xf9: {  	[spmem:s5] =	stream.indirect.scatter.add.f32 [tilespmem:s10], [sflag:$0xB], $0x10, s16, s28, $0xb8;
	[tilespmem:$0x1E3C0] =	vst v63  }
0xfa: {  	_ =	swait.ge [sflag:s25], $0x1400  }
.Ltmp7:
0xfb: {  	[sflag:s25] =	ssyncset.done $0x0;
	(pc) =	sbr.rel @p0 .LBB2_11-.Ltmp7, $4  }
0xfc: {  	[sflag:s25] =	ssyncadd.s32 $0xFFFFEC00  }
0xfd: {  	_ =	swait.ge [sflag:s11], $0x280  }
0xfe: {  	[sflag:s11] =	ssyncset.done $0x0  }
0xff: {  	[sflag:s11] =	ssyncadd.s32 $0xFFFFFD80  }
.Ltmp8:
0x100: {  	(pc) =	sbr.rel .LBB2_9-.Ltmp8, $3  }
0x101: {  	_ =	sdelay $0x1  }
0x102: {  	s2 =	sadd.s32 $0x140, s31;
	s26 =	sadd.s32 $0x320, s26  }
0x103: {  	[tilespmem:s8], [sflag:$0x4] =	stream.indirect.gather [hbm4b:s0+s28], $0x80, s2, s28, $0xb8;
	[tilespmem:$0x1E3C0] =	vst v63  }
.LBB2_13:
0x104: {  	_ =	sfence.sel $0x180000  }
0x105: {  	[bflag:$0x0] =	sbarrier.arrive $0xFFFF  }
0x106: {  	_ =	strace $0x90000047  }
0x107: {  	s0 =	stileid.u32;
	[bflag:$0x2] =	sbarrier.arrive $0xFFFF  }
0x108: {  	p0 =	sne.s32 s0, $0x0;
	s0 =	rddreg [dreg:$0x5]  }
0x109: {  	s0 =	sadd.s32 @!p0 $0x100000, s0  }
0x10a: {  	[sflag:s0] =	ssyncadd.tile.s32 @!p0 $0x1;
	_ =	shalt  }
.Lfunc_end2:
_tile_overlayer_lowered:
.L_overlay_start_2:
0x10b: {  	(tag) =	ssettag $0x2  }
0x10c: {  	s0 =	rddreg [dreg:$0x0];
	s2 =	stileid.u32  }
0x10d: {  	s1 =	rddreg [dreg:$0x1];
	p0 =	sne.s32 s2, $0x0  }
0x10e: {  	s3 =	rddreg [dreg:$0x2];
	[bflag:$0x3] =	sbarrier.arrive $0xFFFF;
	s2 =	simm.s32 @!p0 $0x1C0D  }
0x10f: {  	[timem:s3], [sflag:s2] =	dma.local @!p0 [hbm:s0], s1  }
0x110: {  	s0 =	simm.s32 @!p0 $0xD  }
0x111: {  	_ =	swait.ge @!p0 [sflag:s0], s1  }
0x112: {  	s1 =	ssub.s32 @!p0 $0x0, s1;
	[sflag:s0] =	ssyncset.done @!p0 $0x0  }
0x113: {  	[sflag:s0] =	ssyncadd.s32 @!p0 s1  }
0x114: {  	[bflag:$0x3] =	sbarrier.arrive $0xFFFF  }
0x115: {  	_ =	shalt  }

</sc_bundles>
